<compile_context>
chip_gen: v7x
topology: tpu7x:2x2x1
jax: 0.10.2.dev20260603
libtpu: 0.0.44.dev20260713+nightly
codegen_flags: <defaults>
</compile_context>

<pallas_src>
import functools

import jax
import jax.numpy as jnp
from jax import lax
from jax.experimental import pallas as pl
from jax.experimental.pallas import tpu as pltpu
from jax.experimental.pallas import tpu_sc as plsc

N_USER = 2000
N_ITEM = 8000
N_NODES = N_USER + N_ITEM
DIM = 128
N_EDGES = 320000

NS = 16
CHUNK = 128
TOTAL_CHUNKS = N_EDGES // CHUNK
ACC_ROWS = 10240
ROWS_PER_SUB = ACC_ROWS // NS
ZROWS = 64

_sc_mesh = plsc.VectorSubcoreMesh(
    core_axis_name="c", subcore_axis_name="s", num_cores=1)


@functools.partial(
    pl.kernel,
    out_type=jax.ShapeDtypeStruct((ACC_ROWS, DIM), jnp.float32),
    mesh=_sc_mesh,
    scratch_types=(
        [pltpu.VMEM((2, CHUNK), jnp.int32)] * 4
        + [pltpu.VMEM((CHUNK, DIM), jnp.float32)] * 2
        + [
            pltpu.VMEM((ZROWS, DIM), jnp.float32),
            pltpu.VMEM_SHARED((ACC_ROWS, DIM), jnp.float32),
        ]
        + [pltpu.SemaphoreType.DMA] * 7
    ),
)
def _sc_aggregate(xn_hbm, edge_hbm, out_hbm,
                  e0, e1, e2, e3, rows0, rows1,
                  zero_v, acc_sh, si0, si1, si2, si3, sg0, sg1, sz):
    idx_s = (e0, e1, e2, e3)
    rows_s = (rows0, rows1)
    sem_i = (si0, si1, si2, si3)
    sem_g = (sg0, sg1)
    sid = lax.axis_index("s")

    base_c = sid * TOTAL_CHUNKS // NS
    n_chunks = (sid + 1) * TOTAL_CHUNKS // NS - base_c
    base = base_c * CHUNK

    def _issue_idx(i, slot):
        off = base + i * CHUNK
        pltpu.async_copy(edge_hbm.at[:, pl.ds(off, CHUNK)], idx_s[slot],
                         sem_i[slot])

    def _wait_idx(i, slot):
        off = base + i * CHUNK
        pltpu.make_async_copy(edge_hbm.at[:, pl.ds(off, CHUNK)], idx_s[slot],
                              sem_i[slot]).wait()

    _issue_idx(0, 0)
    _issue_idx(1, 1)

    @pl.loop(0, ZROWS)
    def _(r):
        @pl.loop(0, DIM, step=16)
        def _(q):
            zero_v[pl.ds(r, 1), pl.ds(q, 16)] = jnp.zeros((1, 16), jnp.float32)

    _wait_idx(0, 0)
    pltpu.async_copy(xn_hbm.at[idx_s[0].at[0]], rows_s[0], sem_g[0])

    @pl.loop(0, ROWS_PER_SUB, step=ZROWS)
    def _(r):
        pltpu.async_copy(
            zero_v, acc_sh.at[pl.ds(sid * ROWS_PER_SUB + r, ZROWS)], sz)

    @pl.loop(0, ROWS_PER_SUB, step=ZROWS)
    def _(r):
        pltpu.make_async_copy(
            zero_v, acc_sh.at[pl.ds(sid * ROWS_PER_SUB + r, ZROWS)], sz).wait()

    plsc.subcore_barrier()


    def _quad(q, carry):
        for p in range(4):
            i = 4 * q + p
            nxt = (p + 1) % 4
            pre = (p + 2) % 4

            @pl.when(i + 1 < n_chunks)
            def _():
                _wait_idx(i + 1, nxt)
                pltpu.async_copy(xn_hbm.at[idx_s[nxt].at[0]],
                                 rows_s[(p + 1) % 2], sem_g[(p + 1) % 2])

            @pl.when(i + 2 < n_chunks)
            def _():
                _issue_idx(i + 2, pre)

            @pl.when(i < n_chunks)
            def _():
                pltpu.make_async_copy(
                    xn_hbm.at[idx_s[p].at[0]], rows_s[p % 2],
                    sem_g[p % 2]).wait()
                pltpu.sync_copy(rows_s[p % 2], acc_sh.at[idx_s[p].at[1]],
                                add=True)
        return carry

    lax.fori_loop(0, (n_chunks + 3) // 4, _quad, 0)

    plsc.subcore_barrier()

    pltpu.sync_copy(acc_sh.at[pl.ds(sid * ROWS_PER_SUB, ROWS_PER_SUB)],
                    out_hbm.at[pl.ds(sid * ROWS_PER_SUB, ROWS_PER_SUB)])


def _normalize_body(pref_ref, feat_ref, o_ref):
    i = pl.program_id(0)
    x = jnp.where(i < N_USER // _ROWB, pref_ref[...], feat_ref[...])
    s = jnp.sum(x * x, axis=1, keepdims=True)
    o_ref[...] = x * lax.rsqrt(jnp.maximum(s, 1e-24))


def _combine_body(p_ref, xn_ref, w_ref, o_ref):
    o_ref[...] = (
        jnp.dot(p_ref[...].astype(jnp.bfloat16),
                w_ref[...].astype(jnp.bfloat16),
                preferred_element_type=jnp.float32)
        + xn_ref[...]
    )


_ROWB = 2000


def kernel(edge_index, features, preference, W):
    n_pref_blocks = N_USER // _ROWB

    xn = pl.pallas_call(
        _normalize_body,
        out_shape=jax.ShapeDtypeStruct((N_NODES, DIM), jnp.float32),
        grid=(N_NODES // _ROWB,),
        in_specs=[
            pl.BlockSpec((_ROWB, DIM),
                         lambda i: (jnp.minimum(i, n_pref_blocks - 1), 0)),
            pl.BlockSpec((_ROWB, DIM),
                         lambda i: (jnp.maximum(i - n_pref_blocks, 0), 0)),
        ],
        out_specs=pl.BlockSpec((_ROWB, DIM), lambda i: (i, 0)),
    )(preference, features)

    part = _sc_aggregate(xn, edge_index)

    x_hat = pl.pallas_call(
        _combine_body,
        out_shape=jax.ShapeDtypeStruct((N_NODES, DIM), jnp.float32),
        grid=(N_NODES // _ROWB,),
        in_specs=[
            pl.BlockSpec((_ROWB, DIM), lambda i: (i, 0)),
            pl.BlockSpec((_ROWB, DIM), lambda i: (i, 0)),
            pl.BlockSpec((DIM, DIM), lambda i: (0, 0)),
        ],
        out_specs=pl.BlockSpec((_ROWB, DIM), lambda i: (i, 0)),
    )(part, xn, W)

    return (x_hat, preference)

# --- scband reference (transcript-rebuilt; emitter-appended) ---
"""Pipeline reference for scband-gcn-1-71906342469897 (READ-ONLY COPY).

The authoritative reference and input builder live on the scoring server;
editing this copy changes nothing except your own understanding.
"""

import jax, jax.numpy as jnp
import numpy as np

NUM_USER = 2000
NUM_ITEM = 8000
N_NODES = NUM_USER + NUM_ITEM
DIM_FEAT = 128
N_EDGES = 320000


def setup_inputs(seed: int = 0) -> dict:
    key = jax.random.key(seed)
    k1, k2, k3, k4 = jax.random.split(key, 4)
    # learned params / buffers sized per init_kwargs
    features = jax.random.normal(k1, (NUM_ITEM, DIM_FEAT), dtype=jnp.float32)
    # xavier_normal_ init for preference: std = sqrt(2/(fan_in+fan_out))
    pref_std = float(np.sqrt(2.0 / (NUM_USER + DIM_FEAT)))
    preference = jax.random.normal(k2, (NUM_USER, DIM_FEAT), dtype=jnp.float32) * pref_std
    # BaseModel (GCN conv) linear weight [in, out]
    w_std = float(1.0 / np.sqrt(DIM_FEAT))
    W = jax.random.normal(k3, (DIM_FEAT, DIM_FEAT), dtype=jnp.float32) * w_std
    edge_index = jax.random.randint(k4, (2, N_EDGES), 0, N_NODES, dtype=jnp.int32)
    return {"edge_index": edge_index, "features": features, "preference": preference, "W": W}


def reference(edge_index, features, preference, W):
    # dim_latent is None -> no MLP on features
    x = jnp.concatenate([preference, features], axis=0)  # [N, d]
    # F.normalize: L2 row-normalize with eps clamp 1e-12
    norm = jnp.linalg.norm(x, axis=1, keepdims=True)
    x = x / jnp.clip(norm, 1e-12, None)
    # BaseModel conv: x @ W, then scatter-add messages src -> dst (aggr='add')
    xw = x @ W
    src = edge_index[0]
    dst = edge_index[1]
    msgs = jnp.take(xw, src, axis=0)  # gather x_j
    h = jax.ops.segment_sum(msgs, dst, num_segments=N_NODES)
    x_hat = h + x
    return (x_hat, preference)

if __name__ == "__main__":
    import jax
    _d = setup_inputs()
    print(jax.jit(kernel)(*tuple(_d.values())))

</pallas_src>

<mosaic_0001>
#map = affine_map<(d0, d1) -> (0, 0)>
module attributes {stable_mosaic.version = 14 : i64} {
  func.func @_sc_aggregate(%arg0: i32, %arg1: i32, %arg2: memref<10000x128xf32, #tpu.memory_space<hbm>>, %arg3: memref<2x320000xi32, #tpu.memory_space<hbm>>, %arg4: memref<10240x128xf32, #tpu.memory_space<hbm>>, %arg5: memref<2x128xi32, #tpu.memory_space<vmem>>, %arg6: memref<2x128xi32, #tpu.memory_space<vmem>>, %arg7: memref<2x128xi32, #tpu.memory_space<vmem>>, %arg8: memref<2x128xi32, #tpu.memory_space<vmem>>, %arg9: memref<128x128xf32, #tpu.memory_space<vmem>>, %arg10: memref<128x128xf32, #tpu.memory_space<vmem>>, %arg11: memref<64x128xf32, #tpu.memory_space<vmem>>, %arg12: memref<10240x128xf32, #tpu.memory_space<vmem_shared>>, %arg13: memref<!tpu.dma_semaphore, #tpu.memory_space<semaphore_mem>>, %arg14: memref<!tpu.dma_semaphore, #tpu.memory_space<semaphore_mem>>, %arg15: memref<!tpu.dma_semaphore, #tpu.memory_space<semaphore_mem>>, %arg16: memref<!tpu.dma_semaphore, #tpu.memory_space<semaphore_mem>>, %arg17: memref<!tpu.dma_semaphore, #tpu.memory_space<semaphore_mem>>, %arg18: memref<!tpu.dma_semaphore, #tpu.memory_space<semaphore_mem>>, %arg19: memref<!tpu.dma_semaphore, #tpu.memory_space<semaphore_mem>>) attributes {dimension_semantics = [#tpu.dimension_semantics<core_parallel>, #tpu.dimension_semantics<subcore_parallel>], iteration_bounds = array<i64: 1, 16>, scalar_prefetch = 0 : i64, scratch_operands = 15 : i64, tpu.core_type = #tpu.core_type<sc_vector_subcore>, window_params = [{transform_indices = #map}, {transform_indices = #map}, {transform_indices = #map}]} {
    %mul3A = arith.constant 2500 : i32
    %mul3A_0 = arith.muli %arg1, %mul3A : i32
    %jit3A = arith.constant 16 : i32
    %div3A = arith.divsi %mul3A_0, %jit3A : i32
    %sign3A = arith.constant 0 : i32
    %sign3A_1 = arith.cmpi sgt, %mul3A_0, %sign3A : i32
    %sign3A_2 = arith.extui %sign3A_1 : i1 to i32
    %sign3A_3 = arith.constant 0 : i32
    %sign3A_4 = arith.cmpi slt, %mul3A_0, %sign3A_3 : i32
    %sign3A_5 = arith.extui %sign3A_4 : i1 to i32
    %sign3A_6 = arith.subi %sign3A_2, %sign3A_5 : i32
    %sign3A_7 = arith.constant 0 : i32
    %sign3A_8 = arith.cmpi sgt, %jit3A, %sign3A_7 : i32
    %sign3A_9 = arith.extui %sign3A_8 : i1 to i32
    %sign3A_10 = arith.constant 0 : i32
    %sign3A_11 = arith.cmpi slt, %jit3A, %sign3A_10 : i32
    %sign3A_12 = arith.extui %sign3A_11 : i1 to i32
    %sign3A_13 = arith.subi %sign3A_9, %sign3A_12 : i32
    %ne3A = arith.cmpi ne, %sign3A_6, %sign3A_13 : i32
    %rem3A = arith.remsi %mul3A_0, %jit3A : i32
    %ne3A_14 = arith.constant 0 : i32
    %ne3A_15 = arith.cmpi ne, %rem3A, %ne3A_14 : i32
    %and3A = arith.andi %ne3A, %ne3A_15 : i1
    %sub3A = arith.constant 1 : i32
    %sub3A_16 = arith.subi %div3A, %sub3A : i32
    %select_n3A = arith.select %and3A, %sub3A_16, %div3A : i32
    %add3A = arith.constant 1 : i32
    %add3A_17 = arith.addi %arg1, %add3A : i32
    %mul3A_18 = arith.constant 2500 : i32
    %mul3A_19 = arith.muli %add3A_17, %mul3A_18 : i32
    %jit3A_20 = arith.constant 16 : i32
    %div3A_21 = arith.divsi %mul3A_19, %jit3A_20 : i32
    %sign3A_22 = arith.constant 0 : i32
    %sign3A_23 = arith.cmpi sgt, %mul3A_19, %sign3A_22 : i32
    %sign3A_24 = arith.extui %sign3A_23 : i1 to i32
    %sign3A_25 = arith.constant 0 : i32
    %sign3A_26 = arith.cmpi slt, %mul3A_19, %sign3A_25 : i32
    %sign3A_27 = arith.extui %sign3A_26 : i1 to i32
    %sign3A_28 = arith.subi %sign3A_24, %sign3A_27 : i32
    %sign3A_29 = arith.constant 0 : i32
    %sign3A_30 = arith.cmpi sgt, %jit3A_20, %sign3A_29 : i32
    %sign3A_31 = arith.extui %sign3A_30 : i1 to i32
    %sign3A_32 = arith.constant 0 : i32
    %sign3A_33 = arith.cmpi slt, %jit3A_20, %sign3A_32 : i32
    %sign3A_34 = arith.extui %sign3A_33 : i1 to i32
    %sign3A_35 = arith.subi %sign3A_31, %sign3A_34 : i32
    %ne3A_36 = arith.cmpi ne, %sign3A_28, %sign3A_35 : i32
    %rem3A_37 = arith.remsi %mul3A_19, %jit3A_20 : i32
    %ne3A_38 = arith.constant 0 : i32
    %ne3A_39 = arith.cmpi ne, %rem3A_37, %ne3A_38 : i32
    %and3A_40 = arith.andi %ne3A_36, %ne3A_39 : i1
    %sub3A_41 = arith.constant 1 : i32
    %sub3A_42 = arith.subi %div3A_21, %sub3A_41 : i32
    %select_n3A_43 = arith.select %and3A_40, %sub3A_42, %div3A_21 : i32
    %sub3A_44 = arith.subi %select_n3A_43, %select_n3A : i32
    %mul3A_45 = arith.constant 128 : i32
    %mul3A_46 = arith.muli %select_n3A, %mul3A_45 : i32
    %add3A_47 = arith.constant 0 : i32
    %add3A_48 = arith.addi %mul3A_46, %add3A_47 : i32
    %dma_start3A = arith.constant 0 : i32
    %dma_start3A_49 = tpu.memref_slice %arg3[%dma_start3A, %add3A_48] : memref<2x320000xi32, #tpu.memory_space<hbm>> -> memref<2x128xi32, #tpu.memory_space<hbm>>
    %dma_start3A_50 = arith.constant 0 : i32
    %dma_start3A_51 = tpu.memref_slice %arg3[%dma_start3A_50, %add3A_48] : memref<2x320000xi32, #tpu.memory_space<hbm>> -> memref<2x128xi32, #tpu.memory_space<hbm>>
    tpu.enqueue_dma source(%dma_start3A_51 : memref<2x128xi32, #tpu.memory_space<hbm>>) target(%arg5 : memref<2x128xi32, #tpu.memory_space<vmem>>) target_semaphore(%arg13 : memref<!tpu.dma_semaphore, #tpu.memory_space<semaphore_mem>>)
    %add3A_52 = arith.constant 128 : i32
    %add3A_53 = arith.addi %mul3A_46, %add3A_52 : i32
    %dma_start3A_54 = arith.constant 0 : i32
    %dma_start3A_55 = tpu.memref_slice %arg3[%dma_start3A_54, %add3A_53] : memref<2x320000xi32, #tpu.memory_space<hbm>> -> memref<2x128xi32, #tpu.memory_space<hbm>>
    %dma_start3A_56 = arith.constant 0 : i32
    %dma_start3A_57 = tpu.memref_slice %arg3[%dma_start3A_56, %add3A_53] : memref<2x320000xi32, #tpu.memory_space<hbm>> -> memref<2x128xi32, #tpu.memory_space<hbm>>
    tpu.enqueue_dma source(%dma_start3A_57 : memref<2x128xi32, #tpu.memory_space<hbm>>) target(%arg6 : memref<2x128xi32, #tpu.memory_space<vmem>>) target_semaphore(%arg14 : memref<!tpu.dma_semaphore, #tpu.memory_space<semaphore_mem>>)
    %scan3A = arith.constant 0 : i32
    %scan3A_58 = arith.constant 64 : i32
    %scan3A_59 = arith.addi %scan3A, %scan3A_58 : i32
    %scan3A_60 = arith.constant 1 : i32
    scf.for %scan3A_124 = %scan3A to %scan3A_59 step %scan3A_60  : i32 {
      %mul3A_125 = arith.constant 1 : i32
      %mul3A_126 = arith.muli %scan3A_124, %mul3A_125 : i32
      %add3A_127 = arith.constant 0 : i32
      %add3A_128 = arith.addi %add3A_127, %mul3A_126 : i32
      %scan3A_129 = arith.constant 0 : i32
      %scan3A_130 = arith.constant 8 : i32
      %scan3A_131 = arith.addi %scan3A_129, %scan3A_130 : i32
      %scan3A_132 = arith.constant 1 : i32
      scf.for %scan3A_134 = %scan3A_129 to %scan3A_131 step %scan3A_132  : i32 {
        %mul3A_135 = arith.constant 16 : i32
        %mul3A_136 = arith.muli %scan3A_134, %mul3A_135 : i32
        %add3A_137 = arith.constant 0 : i32
        %add3A_138 = arith.addi %add3A_137, %mul3A_136 : i32
        %broadcast_in_dim3A = arith.constant 0.000000e+00 : f32
        %broadcast_in_dim3A_139 = vector.broadcast %broadcast_in_dim3A : f32 to vector<1x16xf32>
        %swap3A = arith.index_cast %add3A_128 : i32 to index
        %swap3A_140 = arith.index_cast %add3A_138 : i32 to index
        %swap3A_141 = tpu.vector_load %arg11[%swap3A, %swap3A_140] {strides = array<i32>} : memref<64x128xf32, #tpu.memory_space<vmem>>, vector<1x16xf32>,
        %swap3A_142 = vector.shape_cast %swap3A_141 : vector<1x16xf32> to vector<1x16xf32>
        %swap3A_143 = vector.shape_cast %broadcast_in_dim3A_139 : vector<1x16xf32> to vector<1x16xf32>
        tpu.vector_store %arg11[%swap3A, %swap3A_140], %swap3A_143 {strides = array<i32>} : memref<64x128xf32, #tpu.memory_space<vmem>>, vector<1x16xf32>,
      }
      %scan3A_133 = arith.constant 8 : i32
    }
    %scan3A_61 = arith.constant 64 : i32
    %add3A_62 = arith.constant 0 : i32
    %add3A_63 = arith.addi %mul3A_46, %add3A_62 : i32
    %dma_wait3A = arith.constant 0 : i32
    %dma_wait3A_64 = tpu.memref_slice %arg3[%dma_wait3A, %add3A_63] : memref<2x320000xi32, #tpu.memory_space<hbm>> -> memref<2x128xi32, #tpu.memory_space<hbm>>
    %dma_wait3A_65 = arith.constant 0 : i32
    %dma_wait3A_66 = tpu.memref_slice %arg3[%dma_wait3A_65, %add3A_63] : memref<2x320000xi32, #tpu.memory_space<hbm>> -> memref<2x128xi32, #tpu.memory_space<hbm>>
    tpu.wait_dma2 semaphore(%arg13 : memref<!tpu.dma_semaphore, #tpu.memory_space<semaphore_mem>>) src(%dma_wait3A_66 : memref<2x128xi32, #tpu.memory_space<hbm>>) dst(%arg5 : memref<2x128xi32, #tpu.memory_space<vmem>>)
    %dma_start3A_67 = arith.constant 0 : i32
    %dma_start3A_68 = arith.constant 0 : i32
    %dma_start3A_69 = tpu.memref_slice %arg5[%dma_start3A_67, %dma_start3A_68] : memref<2x128xi32, #tpu.memory_space<vmem>> -> memref<1x128xi32, #tpu.memory_space<vmem>>
    %dma_start3A_70 = tpu.memref_squeeze %dma_start3A_69 : memref<1x128xi32, #tpu.memory_space<vmem>> -> memref<128xi32, #tpu.memory_space<vmem>>
    %dma_start3A_71 = arith.constant 0 : i32
    %dma_start3A_72 = arith.constant 0 : i32
    %dma_start3A_73 = tpu.memref_slice %arg2[%dma_start3A_71, %dma_start3A_72] : memref<10000x128xf32, #tpu.memory_space<hbm>> -> memref<10000x128xf32, #tpu.memory_space<hbm>>
    tpu.enqueue_indirect_dma source(%dma_start3A_73 : memref<10000x128xf32, #tpu.memory_space<hbm>>) target(%arg9 : memref<128x128xf32, #tpu.memory_space<vmem>>) offsets(%dma_start3A_70 : memref<128xi32, #tpu.memory_space<vmem>>) semaphore(%arg17 : memref<!tpu.dma_semaphore, #tpu.memory_space<semaphore_mem>>)
    %scan3A_74 = arith.constant 0 : i32
    %scan3A_75 = arith.constant 10 : i32
    %scan3A_76 = arith.addi %scan3A_74, %scan3A_75 : i32
    %scan3A_77 = arith.constant 1 : i32
    scf.for %scan3A_124 = %scan3A_74 to %scan3A_76 step %scan3A_77  : i32 {
      %mul3A_125 = arith.constant 64 : i32
      %mul3A_126 = arith.muli %scan3A_124, %mul3A_125 : i32
      %add3A_127 = arith.constant 0 : i32
      %add3A_128 = arith.addi %add3A_127, %mul3A_126 : i32
      %mul3A_129 = arith.constant 640 : i32
      %mul3A_130 = arith.muli %arg1, %mul3A_129 : i32
      %add3A_131 = arith.addi %mul3A_130, %add3A_128 : i32
      %dma_start3A_132 = arith.constant 0 : i32
      %dma_start3A_133 = tpu.memref_slice %arg12[%add3A_131, %dma_start3A_132] : memref<10240x128xf32, #tpu.memory_space<vmem_shared>> -> memref<64x128xf32, #tpu.memory_space<vmem_shared>>
      %dma_start3A_134 = arith.constant 0 : i32
      %dma_start3A_135 = tpu.memref_slice %arg12[%add3A_131, %dma_start3A_134] : memref<10240x128xf32, #tpu.memory_space<vmem_shared>> -> memref<64x128xf32, #tpu.memory_space<vmem_shared>>
      tpu.enqueue_dma source(%arg11 : memref<64x128xf32, #tpu.memory_space<vmem>>) target(%dma_start3A_135 : memref<64x128xf32, #tpu.memory_space<vmem_shared>>) target_semaphore(%arg19 : memref<!tpu.dma_semaphore, #tpu.memory_space<semaphore_mem>>)
    }
    %scan3A_78 = arith.constant 10 : i32
    %scan3A_79 = arith.constant 0 : i32
    %scan3A_80 = arith.constant 10 : i32
    %scan3A_81 = arith.addi %scan3A_79, %scan3A_80 : i32
    %scan3A_82 = arith.constant 1 : i32
    scf.for %scan3A_124 = %scan3A_79 to %scan3A_81 step %scan3A_82  : i32 {
      %mul3A_125 = arith.constant 64 : i32
      %mul3A_126 = arith.muli %scan3A_124, %mul3A_125 : i32
      %add3A_127 = arith.constant 0 : i32
      %add3A_128 = arith.addi %add3A_127, %mul3A_126 : i32
      %mul3A_129 = arith.constant 640 : i32
      %mul3A_130 = arith.muli %arg1, %mul3A_129 : i32
      %add3A_131 = arith.addi %mul3A_130, %add3A_128 : i32
      %dma_wait3A_132 = arith.constant 0 : i32
      %dma_wait3A_133 = tpu.memref_slice %arg12[%add3A_131, %dma_wait3A_132] : memref<10240x128xf32, #tpu.memory_space<vmem_shared>> -> memref<64x128xf32, #tpu.memory_space<vmem_shared>>
      %dma_wait3A_134 = arith.constant 0 : i32
      %dma_wait3A_135 = tpu.memref_slice %arg12[%add3A_131, %dma_wait3A_134] : memref<10240x128xf32, #tpu.memory_space<vmem_shared>> -> memref<64x128xf32, #tpu.memory_space<vmem_shared>>
      tpu.wait_dma2 semaphore(%arg19 : memref<!tpu.dma_semaphore, #tpu.memory_space<semaphore_mem>>) src(%arg11 : memref<64x128xf32, #tpu.memory_space<vmem>>) dst(%dma_wait3A_135 : memref<64x128xf32, #tpu.memory_space<vmem_shared>>)
    }
    %scan3A_83 = arith.constant 10 : i32
    %barrier3A = arith.constant 0 : index
    tpu.barrier barrier_id(%barrier3A)
    %add3A_84 = arith.constant 3 : i32
    %add3A_85 = arith.addi %sub3A_44, %add3A_84 : i32
    %jit3A_86 = arith.constant 4 : i32
    %div3A_87 = arith.divsi %add3A_85, %jit3A_86 : i32
    %sign3A_88 = arith.constant 0 : i32
    %sign3A_89 = arith.cmpi sgt, %add3A_85, %sign3A_88 : i32
    %sign3A_90 = arith.extui %sign3A_89 : i1 to i32
    %sign3A_91 = arith.constant 0 : i32
    %sign3A_92 = arith.cmpi slt, %add3A_85, %sign3A_91 : i32
    %sign3A_93 = arith.extui %sign3A_92 : i1 to i32
    %sign3A_94 = arith.subi %sign3A_90, %sign3A_93 : i32
    %sign3A_95 = arith.constant 0 : i32
    %sign3A_96 = arith.cmpi sgt, %jit3A_86, %sign3A_95 : i32
    %sign3A_97 = arith.extui %sign3A_96 : i1 to i32
    %sign3A_98 = arith.constant 0 : i32
    %sign3A_99 = arith.cmpi slt, %jit3A_86, %sign3A_98 : i32
    %sign3A_100 = arith.extui %sign3A_99 : i1 to i32
    %sign3A_101 = arith.subi %sign3A_97, %sign3A_100 : i32
    %ne3A_102 = arith.cmpi ne, %sign3A_94, %sign3A_101 : i32
    %rem3A_103 = arith.remsi %add3A_85, %jit3A_86 : i32
    %ne3A_104 = arith.constant 0 : i32
    %ne3A_105 = arith.cmpi ne, %rem3A_103, %ne3A_104 : i32
    %and3A_106 = arith.andi %ne3A_102, %ne3A_105 : i1
    %sub3A_107 = arith.constant 1 : i32
    %sub3A_108 = arith.subi %div3A_87, %sub3A_107 : i32
    %select_n3A_109 = arith.select %and3A_106, %sub3A_108, %div3A_87 : i32
    %while3A = arith.constant 0 : i32
    %while3A_110 = arith.constant 0 : i32
    %while3A_111 = arith.subi %select_n3A_109, %while3A_110 : i32
    %while3A_112 = arith.addi %while3A_110, %while3A_111 : i32
    %while3A_113 = arith.constant 1 : i32
    %while3A_114 = arith.divsi %while3A_111, %while3A_113 : i32
    %while3A_115 = arith.muli %while3A_114, %while3A_113 : i32
    %while3A_116 = arith.addi %while3A_110, %while3A_115 : i32
    %while3A_117 = arith.constant 1 : i32
    scf.for %while3A_124 = %while3A_110 to %while3A_116 step %while3A_117  : i32 {
      %mul3A_125 = arith.constant 4 : i32
      %mul3A_126 = arith.muli %mul3A_125, %while3A_124 : i32
      %add3A_127 = arith.constant 0 : i32
      %add3A_128 = arith.addi %mul3A_126, %add3A_127 : i32
      %add3A_129 = arith.constant 1 : i32
      %add3A_130 = arith.addi %add3A_128, %add3A_129 : i32
      %lt3A = arith.cmpi slt, %add3A_130, %sub3A_44 : i32
      %convert_element_type3A = arith.extui %lt3A : i1 to i32
      %cond3A = arith.constant 0 : i32
      %cond3A_131 = arith.cmpi ne, %convert_element_type3A, %cond3A : i32
      scf.if %cond3A_131 {
        %add3A_202 = arith.constant 1 : i32
        %add3A_203 = arith.addi %add3A_128, %add3A_202 : i32
        %mul3A_204 = arith.constant 128 : i32
        %mul3A_205 = arith.muli %add3A_203, %mul3A_204 : i32
        %add3A_206 = arith.addi %mul3A_46, %mul3A_205 : i32
        %dma_wait3A_207 = arith.constant 0 : i32
        %dma_wait3A_208 = tpu.memref_slice %arg3[%dma_wait3A_207, %add3A_206] : memref<2x320000xi32, #tpu.memory_space<hbm>> -> memref<2x128xi32, #tpu.memory_space<hbm>>
        %dma_wait3A_209 = arith.constant 0 : i32
        %dma_wait3A_210 = tpu.memref_slice %arg3[%dma_wait3A_209, %add3A_206] : memref<2x320000xi32, #tpu.memory_space<hbm>> -> memref<2x128xi32, #tpu.memory_space<hbm>>
        tpu.wait_dma2 semaphore(%arg14 : memref<!tpu.dma_semaphore, #tpu.memory_space<semaphore_mem>>) src(%dma_wait3A_210 : memref<2x128xi32, #tpu.memory_space<hbm>>) dst(%arg6 : memref<2x128xi32, #tpu.memory_space<vmem>>)
        %dma_start3A_211 = arith.constant 0 : i32
        %dma_start3A_212 = arith.constant 0 : i32
        %dma_start3A_213 = tpu.memref_slice %arg6[%dma_start3A_211, %dma_start3A_212] : memref<2x128xi32, #tpu.memory_space<vmem>> -> memref<1x128xi32, #tpu.memory_space<vmem>>
        %dma_start3A_214 = tpu.memref_squeeze %dma_start3A_213 : memref<1x128xi32, #tpu.memory_space<vmem>> -> memref<128xi32, #tpu.memory_space<vmem>>
        %dma_start3A_215 = arith.constant 0 : i32
        %dma_start3A_216 = arith.constant 0 : i32
        %dma_start3A_217 = tpu.memref_slice %arg2[%dma_start3A_215, %dma_start3A_216] : memref<10000x128xf32, #tpu.memory_space<hbm>> -> memref<10000x128xf32, #tpu.memory_space<hbm>>
        tpu.enqueue_indirect_dma source(%dma_start3A_217 : memref<10000x128xf32, #tpu.memory_space<hbm>>) target(%arg10 : memref<128x128xf32, #tpu.memory_space<vmem>>) offsets(%dma_start3A_214 : memref<128xi32, #tpu.memory_space<vmem>>) semaphore(%arg18 : memref<!tpu.dma_semaphore, #tpu.memory_space<semaphore_mem>>)
      } else {
      }
      %add3A_132 = arith.constant 2 : i32
      %add3A_133 = arith.addi %add3A_128, %add3A_132 : i32
      %lt3A_134 = arith.cmpi slt, %add3A_133, %sub3A_44 : i32
      %convert_element_type3A_135 = arith.extui %lt3A_134 : i1 to i32
      %cond3A_136 = arith.constant 0 : i32
      %cond3A_137 = arith.cmpi ne, %convert_element_type3A_135, %cond3A_136 : i32
      scf.if %cond3A_137 {
        %add3A_202 = arith.constant 2 : i32
        %add3A_203 = arith.addi %add3A_128, %add3A_202 : i32
        %mul3A_204 = arith.constant 128 : i32
        %mul3A_205 = arith.muli %add3A_203, %mul3A_204 : i32
        %add3A_206 = arith.addi %mul3A_46, %mul3A_205 : i32
        %dma_start3A_207 = arith.constant 0 : i32
        %dma_start3A_208 = tpu.memref_slice %arg3[%dma_start3A_207, %add3A_206] : memref<2x320000xi32, #tpu.memory_space<hbm>> -> memref<2x128xi32, #tpu.memory_space<hbm>>
        %dma_start3A_209 = arith.constant 0 : i32
        %dma_start3A_210 = tpu.memref_slice %arg3[%dma_start3A_209, %add3A_206] : memref<2x320000xi32, #tpu.memory_space<hbm>> -> memref<2x128xi32, #tpu.memory_space<hbm>>
        tpu.enqueue_dma source(%dma_start3A_210 : memref<2x128xi32, #tpu.memory_space<hbm>>) target(%arg7 : memref<2x128xi32, #tpu.memory_space<vmem>>) target_semaphore(%arg15 : memref<!tpu.dma_semaphore, #tpu.memory_space<semaphore_mem>>)
      } else {
      }
      %lt3A_138 = arith.cmpi slt, %add3A_128, %sub3A_44 : i32
      %convert_element_type3A_139 = arith.extui %lt3A_138 : i1 to i32
      %cond3A_140 = arith.constant 0 : i32
      %cond3A_141 = arith.cmpi ne, %convert_element_type3A_139, %cond3A_140 : i32
      scf.if %cond3A_141 {
        %dma_wait3A_202 = arith.constant 0 : i32
        %dma_wait3A_203 = arith.constant 0 : i32
        %dma_wait3A_204 = tpu.memref_slice %arg5[%dma_wait3A_202, %dma_wait3A_203] : memref<2x128xi32, #tpu.memory_space<vmem>> -> memref<1x128xi32, #tpu.memory_space<vmem>>
        %dma_wait3A_205 = tpu.memref_squeeze %dma_wait3A_204 : memref<1x128xi32, #tpu.memory_space<vmem>> -> memref<128xi32, #tpu.memory_space<vmem>>
        %dma_wait3A_206 = arith.constant 0 : i32
        %dma_wait3A_207 = arith.constant 0 : i32
        %dma_wait3A_208 = tpu.memref_slice %arg2[%dma_wait3A_206, %dma_wait3A_207] : memref<10000x128xf32, #tpu.memory_space<hbm>> -> memref<10000x128xf32, #tpu.memory_space<hbm>>
        tpu.wait_indirect_dma semaphore(%arg17 : memref<!tpu.dma_semaphore, #tpu.memory_space<semaphore_mem>>) src(%dma_wait3A_208 : memref<10000x128xf32, #tpu.memory_space<hbm>>) dst(%arg9 : memref<128x128xf32, #tpu.memory_space<vmem>>)
        %run_scoped3A = arith.constant 1 : i32
        "tpu.region"() ({
          %run_scoped3A_209 = tpu.sem_alloc : memref<!tpu.dma_semaphore, #tpu.memory_space<semaphore_mem>>
          %dma_start3A_210 = arith.constant 0 : i32
          %dma_start3A_211 = tpu.memref_slice %arg5[%run_scoped3A, %dma_start3A_210] : memref<2x128xi32, #tpu.memory_space<vmem>> -> memref<1x128xi32, #tpu.memory_space<vmem>>
          %dma_start3A_212 = tpu.memref_squeeze %dma_start3A_211 : memref<1x128xi32, #tpu.memory_space<vmem>> -> memref<128xi32, #tpu.memory_space<vmem>>
          %dma_start3A_213 = arith.constant 0 : i32
          %dma_start3A_214 = arith.constant 0 : i32
          %dma_start3A_215 = tpu.memref_slice %arg12[%dma_start3A_213, %dma_start3A_214] : memref<10240x128xf32, #tpu.memory_space<vmem_shared>> -> memref<10240x128xf32, #tpu.memory_space<vmem_shared>>
          tpu.enqueue_indirect_dma source(%arg9 : memref<128x128xf32, #tpu.memory_space<vmem>>) target(%dma_start3A_215 : memref<10240x128xf32, #tpu.memory_space<vmem_shared>>) offsets(%dma_start3A_212 : memref<128xi32, #tpu.memory_space<vmem>>) semaphore(%run_scoped3A_209 : memref<!tpu.dma_semaphore, #tpu.memory_space<semaphore_mem>>) {add = true}
          %dma_wait3A_216 = arith.constant 0 : i32
          %dma_wait3A_217 = tpu.memref_slice %arg5[%run_scoped3A, %dma_wait3A_216] : memref<2x128xi32, #tpu.memory_space<vmem>> -> memref<1x128xi32, #tpu.memory_space<vmem>>
          %dma_wait3A_218 = tpu.memref_squeeze %dma_wait3A_217 : memref<1x128xi32, #tpu.memory_space<vmem>> -> memref<128xi32, #tpu.memory_space<vmem>>
          %dma_wait3A_219 = arith.constant 0 : i32
          %dma_wait3A_220 = arith.constant 0 : i32
          %dma_wait3A_221 = tpu.memref_slice %arg12[%dma_wait3A_219, %dma_wait3A_220] : memref<10240x128xf32, #tpu.memory_space<vmem_shared>> -> memref<10240x128xf32, #tpu.memory_space<vmem_shared>>
          tpu.wait_indirect_dma semaphore(%run_scoped3A_209 : memref<!tpu.dma_semaphore, #tpu.memory_space<semaphore_mem>>) src(%arg9 : memref<128x128xf32, #tpu.memory_space<vmem>>) dst(%dma_wait3A_221 : memref<10240x128xf32, #tpu.memory_space<vmem_shared>>)
          tpu.yield
        }) : () -> ()
      } else {
      }
      %mul3A_142 = arith.constant 4 : i32
      %mul3A_143 = arith.muli %mul3A_142, %while3A_124 : i32
      %add3A_144 = arith.constant 1 : i32
      %add3A_145 = arith.addi %mul3A_143, %add3A_144 : i32
      %add3A_146 = arith.constant 1 : i32
      %add3A_147 = arith.addi %add3A_145, %add3A_146 : i32
      %lt3A_148 = arith.cmpi slt, %add3A_147, %sub3A_44 : i32
      %convert_element_type3A_149 = arith.extui %lt3A_148 : i1 to i32
      %cond3A_150 = arith.constant 0 : i32
      %cond3A_151 = arith.cmpi ne, %convert_element_type3A_149, %cond3A_150 : i32
      scf.if %cond3A_151 {
        %add3A_202 = arith.constant 1 : i32
        %add3A_203 = arith.addi %add3A_145, %add3A_202 : i32
        %mul3A_204 = arith.constant 128 : i32
        %mul3A_205 = arith.muli %add3A_203, %mul3A_204 : i32
        %add3A_206 = arith.addi %mul3A_46, %mul3A_205 : i32
        %dma_wait3A_207 = arith.constant 0 : i32
        %dma_wait3A_208 = tpu.memref_slice %arg3[%dma_wait3A_207, %add3A_206] : memref<2x320000xi32, #tpu.memory_space<hbm>> -> memref<2x128xi32, #tpu.memory_space<hbm>>
        %dma_wait3A_209 = arith.constant 0 : i32
        %dma_wait3A_210 = tpu.memref_slice %arg3[%dma_wait3A_209, %add3A_206] : memref<2x320000xi32, #tpu.memory_space<hbm>> -> memref<2x128xi32, #tpu.memory_space<hbm>>
        tpu.wait_dma2 semaphore(%arg15 : memref<!tpu.dma_semaphore, #tpu.memory_space<semaphore_mem>>) src(%dma_wait3A_210 : memref<2x128xi32, #tpu.memory_space<hbm>>) dst(%arg7 : memref<2x128xi32, #tpu.memory_space<vmem>>)
        %dma_start3A_211 = arith.constant 0 : i32
        %dma_start3A_212 = arith.constant 0 : i32
        %dma_start3A_213 = tpu.memref_slice %arg7[%dma_start3A_211, %dma_start3A_212] : memref<2x128xi32, #tpu.memory_space<vmem>> -> memref<1x128xi32, #tpu.memory_space<vmem>>
        %dma_start3A_214 = tpu.memref_squeeze %dma_start3A_213 : memref<1x128xi32, #tpu.memory_space<vmem>> -> memref<128xi32, #tpu.memory_space<vmem>>
        %dma_start3A_215 = arith.constant 0 : i32
        %dma_start3A_216 = arith.constant 0 : i32
        %dma_start3A_217 = tpu.memref_slice %arg2[%dma_start3A_215, %dma_start3A_216] : memref<10000x128xf32, #tpu.memory_space<hbm>> -> memref<10000x128xf32, #tpu.memory_space<hbm>>
        tpu.enqueue_indirect_dma source(%dma_start3A_217 : memref<10000x128xf32, #tpu.memory_space<hbm>>) target(%arg9 : memref<128x128xf32, #tpu.memory_space<vmem>>) offsets(%dma_start3A_214 : memref<128xi32, #tpu.memory_space<vmem>>) semaphore(%arg17 : memref<!tpu.dma_semaphore, #tpu.memory_space<semaphore_mem>>)
      } else {
      }
      %add3A_152 = arith.constant 2 : i32
      %add3A_153 = arith.addi %add3A_145, %add3A_152 : i32
      %lt3A_154 = arith.cmpi slt, %add3A_153, %sub3A_44 : i32
      %convert_element_type3A_155 = arith.extui %lt3A_154 : i1 to i32
      %cond3A_156 = arith.constant 0 : i32
      %cond3A_157 = arith.cmpi ne, %convert_element_type3A_155, %cond3A_156 : i32
      scf.if %cond3A_157 {
        %add3A_202 = arith.constant 2 : i32
        %add3A_203 = arith.addi %add3A_145, %add3A_202 : i32
        %mul3A_204 = arith.constant 128 : i32
        %mul3A_205 = arith.muli %add3A_203, %mul3A_204 : i32
        %add3A_206 = arith.addi %mul3A_46, %mul3A_205 : i32
        %dma_start3A_207 = arith.constant 0 : i32
        %dma_start3A_208 = tpu.memref_slice %arg3[%dma_start3A_207, %add3A_206] : memref<2x320000xi32, #tpu.memory_space<hbm>> -> memref<2x128xi32, #tpu.memory_space<hbm>>
        %dma_start3A_209 = arith.constant 0 : i32
        %dma_start3A_210 = tpu.memref_slice %arg3[%dma_start3A_209, %add3A_206] : memref<2x320000xi32, #tpu.memory_space<hbm>> -> memref<2x128xi32, #tpu.memory_space<hbm>>
        tpu.enqueue_dma source(%dma_start3A_210 : memref<2x128xi32, #tpu.memory_space<hbm>>) target(%arg8 : memref<2x128xi32, #tpu.memory_space<vmem>>) target_semaphore(%arg16 : memref<!tpu.dma_semaphore, #tpu.memory_space<semaphore_mem>>)
      } else {
      }
      %lt3A_158 = arith.cmpi slt, %add3A_145, %sub3A_44 : i32
      %convert_element_type3A_159 = arith.extui %lt3A_158 : i1 to i32
      %cond3A_160 = arith.constant 0 : i32
      %cond3A_161 = arith.cmpi ne, %convert_element_type3A_159, %cond3A_160 : i32
      scf.if %cond3A_161 {
        %dma_wait3A_202 = arith.constant 0 : i32
        %dma_wait3A_203 = arith.constant 0 : i32
        %dma_wait3A_204 = tpu.memref_slice %arg6[%dma_wait3A_202, %dma_wait3A_203] : memref<2x128xi32, #tpu.memory_space<vmem>> -> memref<1x128xi32, #tpu.memory_space<vmem>>
        %dma_wait3A_205 = tpu.memref_squeeze %dma_wait3A_204 : memref<1x128xi32, #tpu.memory_space<vmem>> -> memref<128xi32, #tpu.memory_space<vmem>>
        %dma_wait3A_206 = arith.constant 0 : i32
        %dma_wait3A_207 = arith.constant 0 : i32
        %dma_wait3A_208 = tpu.memref_slice %arg2[%dma_wait3A_206, %dma_wait3A_207] : memref<10000x128xf32, #tpu.memory_space<hbm>> -> memref<10000x128xf32, #tpu.memory_space<hbm>>
        tpu.wait_indirect_dma semaphore(%arg18 : memref<!tpu.dma_semaphore, #tpu.memory_space<semaphore_mem>>) src(%dma_wait3A_208 : memref<10000x128xf32, #tpu.memory_space<hbm>>) dst(%arg10 : memref<128x128xf32, #tpu.memory_space<vmem>>)
        %run_scoped3A = arith.constant 1 : i32
        "tpu.region"() ({
          %run_scoped3A_209 = tpu.sem_alloc : memref<!tpu.dma_semaphore, #tpu.memory_space<semaphore_mem>>
          %dma_start3A_210 = arith.constant 0 : i32
          %dma_start3A_211 = tpu.memref_slice %arg6[%run_scoped3A, %dma_start3A_210] : memref<2x128xi32, #tpu.memory_space<vmem>> -> memref<1x128xi32, #tpu.memory_space<vmem>>
          %dma_start3A_212 = tpu.memref_squeeze %dma_start3A_211 : memref<1x128xi32, #tpu.memory_space<vmem>> -> memref<128xi32, #tpu.memory_space<vmem>>
          %dma_start3A_213 = arith.constant 0 : i32
          %dma_start3A_214 = arith.constant 0 : i32
          %dma_start3A_215 = tpu.memref_slice %arg12[%dma_start3A_213, %dma_start3A_214] : memref<10240x128xf32, #tpu.memory_space<vmem_shared>> -> memref<10240x128xf32, #tpu.memory_space<vmem_shared>>
          tpu.enqueue_indirect_dma source(%arg10 : memref<128x128xf32, #tpu.memory_space<vmem>>) target(%dma_start3A_215 : memref<10240x128xf32, #tpu.memory_space<vmem_shared>>) offsets(%dma_start3A_212 : memref<128xi32, #tpu.memory_space<vmem>>) semaphore(%run_scoped3A_209 : memref<!tpu.dma_semaphore, #tpu.memory_space<semaphore_mem>>) {add = true}
          %dma_wait3A_216 = arith.constant 0 : i32
          %dma_wait3A_217 = tpu.memref_slice %arg6[%run_scoped3A, %dma_wait3A_216] : memref<2x128xi32, #tpu.memory_space<vmem>> -> memref<1x128xi32, #tpu.memory_space<vmem>>
          %dma_wait3A_218 = tpu.memref_squeeze %dma_wait3A_217 : memref<1x128xi32, #tpu.memory_space<vmem>> -> memref<128xi32, #tpu.memory_space<vmem>>
          %dma_wait3A_219 = arith.constant 0 : i32
          %dma_wait3A_220 = arith.constant 0 : i32
          %dma_wait3A_221 = tpu.memref_slice %arg12[%dma_wait3A_219, %dma_wait3A_220] : memref<10240x128xf32, #tpu.memory_space<vmem_shared>> -> memref<10240x128xf32, #tpu.memory_space<vmem_shared>>
          tpu.wait_indirect_dma semaphore(%run_scoped3A_209 : memref<!tpu.dma_semaphore, #tpu.memory_space<semaphore_mem>>) src(%arg10 : memref<128x128xf32, #tpu.memory_space<vmem>>) dst(%dma_wait3A_221 : memref<10240x128xf32, #tpu.memory_space<vmem_shared>>)
          tpu.yield
        }) : () -> ()
      } else {
      }
      %mul3A_162 = arith.constant 4 : i32
      %mul3A_163 = arith.muli %mul3A_162, %while3A_124 : i32
      %add3A_164 = arith.constant 2 : i32
      %add3A_165 = arith.addi %mul3A_163, %add3A_164 : i32
      %add3A_166 = arith.constant 1 : i32
      %add3A_167 = arith.addi %add3A_165, %add3A_166 : i32
      %lt3A_168 = arith.cmpi slt, %add3A_167, %sub3A_44 : i32
      %convert_element_type3A_169 = arith.extui %lt3A_168 : i1 to i32
      %cond3A_170 = arith.constant 0 : i32
      %cond3A_171 = arith.cmpi ne, %convert_element_type3A_169, %cond3A_170 : i32
      scf.if %cond3A_171 {
        %add3A_202 = arith.constant 1 : i32
        %add3A_203 = arith.addi %add3A_165, %add3A_202 : i32
        %mul3A_204 = arith.constant 128 : i32
        %mul3A_205 = arith.muli %add3A_203, %mul3A_204 : i32
        %add3A_206 = arith.addi %mul3A_46, %mul3A_205 : i32
        %dma_wait3A_207 = arith.constant 0 : i32
        %dma_wait3A_208 = tpu.memref_slice %arg3[%dma_wait3A_207, %add3A_206] : memref<2x320000xi32, #tpu.memory_space<hbm>> -> memref<2x128xi32, #tpu.memory_space<hbm>>
        %dma_wait3A_209 = arith.constant 0 : i32
        %dma_wait3A_210 = tpu.memref_slice %arg3[%dma_wait3A_209, %add3A_206] : memref<2x320000xi32, #tpu.memory_space<hbm>> -> memref<2x128xi32, #tpu.memory_space<hbm>>
        tpu.wait_dma2 semaphore(%arg16 : memref<!tpu.dma_semaphore, #tpu.memory_space<semaphore_mem>>) src(%dma_wait3A_210 : memref<2x128xi32, #tpu.memory_space<hbm>>) dst(%arg8 : memref<2x128xi32, #tpu.memory_space<vmem>>)
        %dma_start3A_211 = arith.constant 0 : i32
        %dma_start3A_212 = arith.constant 0 : i32
        %dma_start3A_213 = tpu.memref_slice %arg8[%dma_start3A_211, %dma_start3A_212] : memref<2x128xi32, #tpu.memory_space<vmem>> -> memref<1x128xi32, #tpu.memory_space<vmem>>
        %dma_start3A_214 = tpu.memref_squeeze %dma_start3A_213 : memref<1x128xi32, #tpu.memory_space<vmem>> -> memref<128xi32, #tpu.memory_space<vmem>>
        %dma_start3A_215 = arith.constant 0 : i32
        %dma_start3A_216 = arith.constant 0 : i32
        %dma_start3A_217 = tpu.memref_slice %arg2[%dma_start3A_215, %dma_start3A_216] : memref<10000x128xf32, #tpu.memory_space<hbm>> -> memref<10000x128xf32, #tpu.memory_space<hbm>>
        tpu.enqueue_indirect_dma source(%dma_start3A_217 : memref<10000x128xf32, #tpu.memory_space<hbm>>) target(%arg10 : memref<128x128xf32, #tpu.memory_space<vmem>>) offsets(%dma_start3A_214 : memref<128xi32, #tpu.memory_space<vmem>>) semaphore(%arg18 : memref<!tpu.dma_semaphore, #tpu.memory_space<semaphore_mem>>)
      } else {
      }
      %add3A_172 = arith.constant 2 : i32
      %add3A_173 = arith.addi %add3A_165, %add3A_172 : i32
      %lt3A_174 = arith.cmpi slt, %add3A_173, %sub3A_44 : i32
      %convert_element_type3A_175 = arith.extui %lt3A_174 : i1 to i32
      %cond3A_176 = arith.constant 0 : i32
      %cond3A_177 = arith.cmpi ne, %convert_element_type3A_175, %cond3A_176 : i32
      scf.if %cond3A_177 {
        %add3A_202 = arith.constant 2 : i32
        %add3A_203 = arith.addi %add3A_165, %add3A_202 : i32
        %mul3A_204 = arith.constant 128 : i32
        %mul3A_205 = arith.muli %add3A_203, %mul3A_204 : i32
        %add3A_206 = arith.addi %mul3A_46, %mul3A_205 : i32
        %dma_start3A_207 = arith.constant 0 : i32
        %dma_start3A_208 = tpu.memref_slice %arg3[%dma_start3A_207, %add3A_206] : memref<2x320000xi32, #tpu.memory_space<hbm>> -> memref<2x128xi32, #tpu.memory_space<hbm>>
        %dma_start3A_209 = arith.constant 0 : i32
        %dma_start3A_210 = tpu.memref_slice %arg3[%dma_start3A_209, %add3A_206] : memref<2x320000xi32, #tpu.memory_space<hbm>> -> memref<2x128xi32, #tpu.memory_space<hbm>>
        tpu.enqueue_dma source(%dma_start3A_210 : memref<2x128xi32, #tpu.memory_space<hbm>>) target(%arg5 : memref<2x128xi32, #tpu.memory_space<vmem>>) target_semaphore(%arg13 : memref<!tpu.dma_semaphore, #tpu.memory_space<semaphore_mem>>)
      } else {
      }
      %lt3A_178 = arith.cmpi slt, %add3A_165, %sub3A_44 : i32
      %convert_element_type3A_179 = arith.extui %lt3A_178 : i1 to i32
      %cond3A_180 = arith.constant 0 : i32
      %cond3A_181 = arith.cmpi ne, %convert_element_type3A_179, %cond3A_180 : i32
      scf.if %cond3A_181 {
        %dma_wait3A_202 = arith.constant 0 : i32
        %dma_wait3A_203 = arith.constant 0 : i32
        %dma_wait3A_204 = tpu.memref_slice %arg7[%dma_wait3A_202, %dma_wait3A_203] : memref<2x128xi32, #tpu.memory_space<vmem>> -> memref<1x128xi32, #tpu.memory_space<vmem>>
        %dma_wait3A_205 = tpu.memref_squeeze %dma_wait3A_204 : memref<1x128xi32, #tpu.memory_space<vmem>> -> memref<128xi32, #tpu.memory_space<vmem>>
        %dma_wait3A_206 = arith.constant 0 : i32
        %dma_wait3A_207 = arith.constant 0 : i32
        %dma_wait3A_208 = tpu.memref_slice %arg2[%dma_wait3A_206, %dma_wait3A_207] : memref<10000x128xf32, #tpu.memory_space<hbm>> -> memref<10000x128xf32, #tpu.memory_space<hbm>>
        tpu.wait_indirect_dma semaphore(%arg17 : memref<!tpu.dma_semaphore, #tpu.memory_space<semaphore_mem>>) src(%dma_wait3A_208 : memref<10000x128xf32, #tpu.memory_space<hbm>>) dst(%arg9 : memref<128x128xf32, #tpu.memory_space<vmem>>)
        %run_scoped3A = arith.constant 1 : i32
        "tpu.region"() ({
          %run_scoped3A_209 = tpu.sem_alloc : memref<!tpu.dma_semaphore, #tpu.memory_space<semaphore_mem>>
          %dma_start3A_210 = arith.constant 0 : i32
          %dma_start3A_211 = tpu.memref_slice %arg7[%run_scoped3A, %dma_start3A_210] : memref<2x128xi32, #tpu.memory_space<vmem>> -> memref<1x128xi32, #tpu.memory_space<vmem>>
          %dma_start3A_212 = tpu.memref_squeeze %dma_start3A_211 : memref<1x128xi32, #tpu.memory_space<vmem>> -> memref<128xi32, #tpu.memory_space<vmem>>
          %dma_start3A_213 = arith.constant 0 : i32
          %dma_start3A_214 = arith.constant 0 : i32
          %dma_start3A_215 = tpu.memref_slice %arg12[%dma_start3A_213, %dma_start3A_214] : memref<10240x128xf32, #tpu.memory_space<vmem_shared>> -> memref<10240x128xf32, #tpu.memory_space<vmem_shared>>
          tpu.enqueue_indirect_dma source(%arg9 : memref<128x128xf32, #tpu.memory_space<vmem>>) target(%dma_start3A_215 : memref<10240x128xf32, #tpu.memory_space<vmem_shared>>) offsets(%dma_start3A_212 : memref<128xi32, #tpu.memory_space<vmem>>) semaphore(%run_scoped3A_209 : memref<!tpu.dma_semaphore, #tpu.memory_space<semaphore_mem>>) {add = true}
          %dma_wait3A_216 = arith.constant 0 : i32
          %dma_wait3A_217 = tpu.memref_slice %arg7[%run_scoped3A, %dma_wait3A_216] : memref<2x128xi32, #tpu.memory_space<vmem>> -> memref<1x128xi32, #tpu.memory_space<vmem>>
          %dma_wait3A_218 = tpu.memref_squeeze %dma_wait3A_217 : memref<1x128xi32, #tpu.memory_space<vmem>> -> memref<128xi32, #tpu.memory_space<vmem>>
          %dma_wait3A_219 = arith.constant 0 : i32
          %dma_wait3A_220 = arith.constant 0 : i32
          %dma_wait3A_221 = tpu.memref_slice %arg12[%dma_wait3A_219, %dma_wait3A_220] : memref<10240x128xf32, #tpu.memory_space<vmem_shared>> -> memref<10240x128xf32, #tpu.memory_space<vmem_shared>>
          tpu.wait_indirect_dma semaphore(%run_scoped3A_209 : memref<!tpu.dma_semaphore, #tpu.memory_space<semaphore_mem>>) src(%arg9 : memref<128x128xf32, #tpu.memory_space<vmem>>) dst(%dma_wait3A_221 : memref<10240x128xf32, #tpu.memory_space<vmem_shared>>)
          tpu.yield
        }) : () -> ()
      } else {
      }
      %mul3A_182 = arith.constant 4 : i32
      %mul3A_183 = arith.muli %mul3A_182, %while3A_124 : i32
      %add3A_184 = arith.constant 3 : i32
      %add3A_185 = arith.addi %mul3A_183, %add3A_184 : i32
      %add3A_186 = arith.constant 1 : i32
      %add3A_187 = arith.addi %add3A_185, %add3A_186 : i32
      %lt3A_188 = arith.cmpi slt, %add3A_187, %sub3A_44 : i32
      %convert_element_type3A_189 = arith.extui %lt3A_188 : i1 to i32
      %cond3A_190 = arith.constant 0 : i32
      %cond3A_191 = arith.cmpi ne, %convert_element_type3A_189, %cond3A_190 : i32
      scf.if %cond3A_191 {
        %add3A_202 = arith.constant 1 : i32
        %add3A_203 = arith.addi %add3A_185, %add3A_202 : i32
        %mul3A_204 = arith.constant 128 : i32
        %mul3A_205 = arith.muli %add3A_203, %mul3A_204 : i32
        %add3A_206 = arith.addi %mul3A_46, %mul3A_205 : i32
        %dma_wait3A_207 = arith.constant 0 : i32
        %dma_wait3A_208 = tpu.memref_slice %arg3[%dma_wait3A_207, %add3A_206] : memref<2x320000xi32, #tpu.memory_space<hbm>> -> memref<2x128xi32, #tpu.memory_space<hbm>>
        %dma_wait3A_209 = arith.constant 0 : i32
        %dma_wait3A_210 = tpu.memref_slice %arg3[%dma_wait3A_209, %add3A_206] : memref<2x320000xi32, #tpu.memory_space<hbm>> -> memref<2x128xi32, #tpu.memory_space<hbm>>
        tpu.wait_dma2 semaphore(%arg13 : memref<!tpu.dma_semaphore, #tpu.memory_space<semaphore_mem>>) src(%dma_wait3A_210 : memref<2x128xi32, #tpu.memory_space<hbm>>) dst(%arg5 : memref<2x128xi32, #tpu.memory_space<vmem>>)
        %dma_start3A_211 = arith.constant 0 : i32
        %dma_start3A_212 = arith.constant 0 : i32
        %dma_start3A_213 = tpu.memref_slice %arg5[%dma_start3A_211, %dma_start3A_212] : memref<2x128xi32, #tpu.memory_space<vmem>> -> memref<1x128xi32, #tpu.memory_space<vmem>>
        %dma_start3A_214 = tpu.memref_squeeze %dma_start3A_213 : memref<1x128xi32, #tpu.memory_space<vmem>> -> memref<128xi32, #tpu.memory_space<vmem>>
        %dma_start3A_215 = arith.constant 0 : i32
        %dma_start3A_216 = arith.constant 0 : i32
        %dma_start3A_217 = tpu.memref_slice %arg2[%dma_start3A_215, %dma_start3A_216] : memref<10000x128xf32, #tpu.memory_space<hbm>> -> memref<10000x128xf32, #tpu.memory_space<hbm>>
        tpu.enqueue_indirect_dma source(%dma_start3A_217 : memref<10000x128xf32, #tpu.memory_space<hbm>>) target(%arg9 : memref<128x128xf32, #tpu.memory_space<vmem>>) offsets(%dma_start3A_214 : memref<128xi32, #tpu.memory_space<vmem>>) semaphore(%arg17 : memref<!tpu.dma_semaphore, #tpu.memory_space<semaphore_mem>>)
      } else {
      }
      %add3A_192 = arith.constant 2 : i32
      %add3A_193 = arith.addi %add3A_185, %add3A_192 : i32
      %lt3A_194 = arith.cmpi slt, %add3A_193, %sub3A_44 : i32
      %convert_element_type3A_195 = arith.extui %lt3A_194 : i1 to i32
      %cond3A_196 = arith.constant 0 : i32
      %cond3A_197 = arith.cmpi ne, %convert_element_type3A_195, %cond3A_196 : i32
      scf.if %cond3A_197 {
        %add3A_202 = arith.constant 2 : i32
        %add3A_203 = arith.addi %add3A_185, %add3A_202 : i32
        %mul3A_204 = arith.constant 128 : i32
        %mul3A_205 = arith.muli %add3A_203, %mul3A_204 : i32
        %add3A_206 = arith.addi %mul3A_46, %mul3A_205 : i32
        %dma_start3A_207 = arith.constant 0 : i32
        %dma_start3A_208 = tpu.memref_slice %arg3[%dma_start3A_207, %add3A_206] : memref<2x320000xi32, #tpu.memory_space<hbm>> -> memref<2x128xi32, #tpu.memory_space<hbm>>
        %dma_start3A_209 = arith.constant 0 : i32
        %dma_start3A_210 = tpu.memref_slice %arg3[%dma_start3A_209, %add3A_206] : memref<2x320000xi32, #tpu.memory_space<hbm>> -> memref<2x128xi32, #tpu.memory_space<hbm>>
        tpu.enqueue_dma source(%dma_start3A_210 : memref<2x128xi32, #tpu.memory_space<hbm>>) target(%arg6 : memref<2x128xi32, #tpu.memory_space<vmem>>) target_semaphore(%arg14 : memref<!tpu.dma_semaphore, #tpu.memory_space<semaphore_mem>>)
      } else {
      }
      %lt3A_198 = arith.cmpi slt, %add3A_185, %sub3A_44 : i32
      %convert_element_type3A_199 = arith.extui %lt3A_198 : i1 to i32
      %cond3A_200 = arith.constant 0 : i32
      %cond3A_201 = arith.cmpi ne, %convert_element_type3A_199, %cond3A_200 : i32
      scf.if %cond3A_201 {
        %dma_wait3A_202 = arith.constant 0 : i32
        %dma_wait3A_203 = arith.constant 0 : i32
        %dma_wait3A_204 = tpu.memref_slice %arg8[%dma_wait3A_202, %dma_wait3A_203] : memref<2x128xi32, #tpu.memory_space<vmem>> -> memref<1x128xi32, #tpu.memory_space<vmem>>
        %dma_wait3A_205 = tpu.memref_squeeze %dma_wait3A_204 : memref<1x128xi32, #tpu.memory_space<vmem>> -> memref<128xi32, #tpu.memory_space<vmem>>
        %dma_wait3A_206 = arith.constant 0 : i32
        %dma_wait3A_207 = arith.constant 0 : i32
        %dma_wait3A_208 = tpu.memref_slice %arg2[%dma_wait3A_206, %dma_wait3A_207] : memref<10000x128xf32, #tpu.memory_space<hbm>> -> memref<10000x128xf32, #tpu.memory_space<hbm>>
        tpu.wait_indirect_dma semaphore(%arg18 : memref<!tpu.dma_semaphore, #tpu.memory_space<semaphore_mem>>) src(%dma_wait3A_208 : memref<10000x128xf32, #tpu.memory_space<hbm>>) dst(%arg10 : memref<128x128xf32, #tpu.memory_space<vmem>>)
        %run_scoped3A = arith.constant 1 : i32
        "tpu.region"() ({
          %run_scoped3A_209 = tpu.sem_alloc : memref<!tpu.dma_semaphore, #tpu.memory_space<semaphore_mem>>
          %dma_start3A_210 = arith.constant 0 : i32
          %dma_start3A_211 = tpu.memref_slice %arg8[%run_scoped3A, %dma_start3A_210] : memref<2x128xi32, #tpu.memory_space<vmem>> -> memref<1x128xi32, #tpu.memory_space<vmem>>
          %dma_start3A_212 = tpu.memref_squeeze %dma_start3A_211 : memref<1x128xi32, #tpu.memory_space<vmem>> -> memref<128xi32, #tpu.memory_space<vmem>>
          %dma_start3A_213 = arith.constant 0 : i32
          %dma_start3A_214 = arith.constant 0 : i32
          %dma_start3A_215 = tpu.memref_slice %arg12[%dma_start3A_213, %dma_start3A_214] : memref<10240x128xf32, #tpu.memory_space<vmem_shared>> -> memref<10240x128xf32, #tpu.memory_space<vmem_shared>>
          tpu.enqueue_indirect_dma source(%arg10 : memref<128x128xf32, #tpu.memory_space<vmem>>) target(%dma_start3A_215 : memref<10240x128xf32, #tpu.memory_space<vmem_shared>>) offsets(%dma_start3A_212 : memref<128xi32, #tpu.memory_space<vmem>>) semaphore(%run_scoped3A_209 : memref<!tpu.dma_semaphore, #tpu.memory_space<semaphore_mem>>) {add = true}
          %dma_wait3A_216 = arith.constant 0 : i32
          %dma_wait3A_217 = tpu.memref_slice %arg8[%run_scoped3A, %dma_wait3A_216] : memref<2x128xi32, #tpu.memory_space<vmem>> -> memref<1x128xi32, #tpu.memory_space<vmem>>
          %dma_wait3A_218 = tpu.memref_squeeze %dma_wait3A_217 : memref<1x128xi32, #tpu.memory_space<vmem>> -> memref<128xi32, #tpu.memory_space<vmem>>
          %dma_wait3A_219 = arith.constant 0 : i32
          %dma_wait3A_220 = arith.constant 0 : i32
          %dma_wait3A_221 = tpu.memref_slice %arg12[%dma_wait3A_219, %dma_wait3A_220] : memref<10240x128xf32, #tpu.memory_space<vmem_shared>> -> memref<10240x128xf32, #tpu.memory_space<vmem_shared>>
          tpu.wait_indirect_dma semaphore(%run_scoped3A_209 : memref<!tpu.dma_semaphore, #tpu.memory_space<semaphore_mem>>) src(%arg10 : memref<128x128xf32, #tpu.memory_space<vmem>>) dst(%dma_wait3A_221 : memref<10240x128xf32, #tpu.memory_space<vmem_shared>>)
          tpu.yield
        }) : () -> ()
      } else {
      }
    }
    %while3A_118 = arith.constant 1 : i32
    scf.for %while3A_124 = %while3A_116 to %while3A_112 step %while3A_118  : i32 {
      %mul3A_125 = arith.constant 4 : i32
      %mul3A_126 = arith.muli %mul3A_125, %while3A_124 : i32
      %add3A_127 = arith.constant 0 : i32
      %add3A_128 = arith.addi %mul3A_126, %add3A_127 : i32
      %add3A_129 = arith.constant 1 : i32
      %add3A_130 = arith.addi %add3A_128, %add3A_129 : i32
      %lt3A = arith.cmpi slt, %add3A_130, %sub3A_44 : i32
      %convert_element_type3A = arith.extui %lt3A : i1 to i32
      %cond3A = arith.constant 0 : i32
      %cond3A_131 = arith.cmpi ne, %convert_element_type3A, %cond3A : i32
      scf.if %cond3A_131 {
        %add3A_202 = arith.constant 1 : i32
        %add3A_203 = arith.addi %add3A_128, %add3A_202 : i32
        %mul3A_204 = arith.constant 128 : i32
        %mul3A_205 = arith.muli %add3A_203, %mul3A_204 : i32
        %add3A_206 = arith.addi %mul3A_46, %mul3A_205 : i32
        %dma_wait3A_207 = arith.constant 0 : i32
        %dma_wait3A_208 = tpu.memref_slice %arg3[%dma_wait3A_207, %add3A_206] : memref<2x320000xi32, #tpu.memory_space<hbm>> -> memref<2x128xi32, #tpu.memory_space<hbm>>
        %dma_wait3A_209 = arith.constant 0 : i32
        %dma_wait3A_210 = tpu.memref_slice %arg3[%dma_wait3A_209, %add3A_206] : memref<2x320000xi32, #tpu.memory_space<hbm>> -> memref<2x128xi32, #tpu.memory_space<hbm>>
        tpu.wait_dma2 semaphore(%arg14 : memref<!tpu.dma_semaphore, #tpu.memory_space<semaphore_mem>>) src(%dma_wait3A_210 : memref<2x128xi32, #tpu.memory_space<hbm>>) dst(%arg6 : memref<2x128xi32, #tpu.memory_space<vmem>>)
        %dma_start3A_211 = arith.constant 0 : i32
        %dma_start3A_212 = arith.constant 0 : i32
        %dma_start3A_213 = tpu.memref_slice %arg6[%dma_start3A_211, %dma_start3A_212] : memref<2x128xi32, #tpu.memory_space<vmem>> -> memref<1x128xi32, #tpu.memory_space<vmem>>
        %dma_start3A_214 = tpu.memref_squeeze %dma_start3A_213 : memref<1x128xi32, #tpu.memory_space<vmem>> -> memref<128xi32, #tpu.memory_space<vmem>>
        %dma_start3A_215 = arith.constant 0 : i32
        %dma_start3A_216 = arith.constant 0 : i32
        %dma_start3A_217 = tpu.memref_slice %arg2[%dma_start3A_215, %dma_start3A_216] : memref<10000x128xf32, #tpu.memory_space<hbm>> -> memref<10000x128xf32, #tpu.memory_space<hbm>>
        tpu.enqueue_indirect_dma source(%dma_start3A_217 : memref<10000x128xf32, #tpu.memory_space<hbm>>) target(%arg10 : memref<128x128xf32, #tpu.memory_space<vmem>>) offsets(%dma_start3A_214 : memref<128xi32, #tpu.memory_space<vmem>>) semaphore(%arg18 : memref<!tpu.dma_semaphore, #tpu.memory_space<semaphore_mem>>)
      } else {
      }
      %add3A_132 = arith.constant 2 : i32
      %add3A_133 = arith.addi %add3A_128, %add3A_132 : i32
      %lt3A_134 = arith.cmpi slt, %add3A_133, %sub3A_44 : i32
      %convert_element_type3A_135 = arith.extui %lt3A_134 : i1 to i32
      %cond3A_136 = arith.constant 0 : i32
      %cond3A_137 = arith.cmpi ne, %convert_element_type3A_135, %cond3A_136 : i32
      scf.if %cond3A_137 {
        %add3A_202 = arith.constant 2 : i32
        %add3A_203 = arith.addi %add3A_128, %add3A_202 : i32
        %mul3A_204 = arith.constant 128 : i32
        %mul3A_205 = arith.muli %add3A_203, %mul3A_204 : i32
        %add3A_206 = arith.addi %mul3A_46, %mul3A_205 : i32
        %dma_start3A_207 = arith.constant 0 : i32
        %dma_start3A_208 = tpu.memref_slice %arg3[%dma_start3A_207, %add3A_206] : memref<2x320000xi32, #tpu.memory_space<hbm>> -> memref<2x128xi32, #tpu.memory_space<hbm>>
        %dma_start3A_209 = arith.constant 0 : i32
        %dma_start3A_210 = tpu.memref_slice %arg3[%dma_start3A_209, %add3A_206] : memref<2x320000xi32, #tpu.memory_space<hbm>> -> memref<2x128xi32, #tpu.memory_space<hbm>>
        tpu.enqueue_dma source(%dma_start3A_210 : memref<2x128xi32, #tpu.memory_space<hbm>>) target(%arg7 : memref<2x128xi32, #tpu.memory_space<vmem>>) target_semaphore(%arg15 : memref<!tpu.dma_semaphore, #tpu.memory_space<semaphore_mem>>)
      } else {
      }
      %lt3A_138 = arith.cmpi slt, %add3A_128, %sub3A_44 : i32
      %convert_element_type3A_139 = arith.extui %lt3A_138 : i1 to i32
      %cond3A_140 = arith.constant 0 : i32
      %cond3A_141 = arith.cmpi ne, %convert_element_type3A_139, %cond3A_140 : i32
      scf.if %cond3A_141 {
        %dma_wait3A_202 = arith.constant 0 : i32
        %dma_wait3A_203 = arith.constant 0 : i32
        %dma_wait3A_204 = tpu.memref_slice %arg5[%dma_wait3A_202, %dma_wait3A_203] : memref<2x128xi32, #tpu.memory_space<vmem>> -> memref<1x128xi32, #tpu.memory_space<vmem>>
        %dma_wait3A_205 = tpu.memref_squeeze %dma_wait3A_204 : memref<1x128xi32, #tpu.memory_space<vmem>> -> memref<128xi32, #tpu.memory_space<vmem>>
        %dma_wait3A_206 = arith.constant 0 : i32
        %dma_wait3A_207 = arith.constant 0 : i32
        %dma_wait3A_208 = tpu.memref_slice %arg2[%dma_wait3A_206, %dma_wait3A_207] : memref<10000x128xf32, #tpu.memory_space<hbm>> -> memref<10000x128xf32, #tpu.memory_space<hbm>>
        tpu.wait_indirect_dma semaphore(%arg17 : memref<!tpu.dma_semaphore, #tpu.memory_space<semaphore_mem>>) src(%dma_wait3A_208 : memref<10000x128xf32, #tpu.memory_space<hbm>>) dst(%arg9 : memref<128x128xf32, #tpu.memory_space<vmem>>)
        %run_scoped3A = arith.constant 1 : i32
        "tpu.region"() ({
          %run_scoped3A_209 = tpu.sem_alloc : memref<!tpu.dma_semaphore, #tpu.memory_space<semaphore_mem>>
          %dma_start3A_210 = arith.constant 0 : i32
          %dma_start3A_211 = tpu.memref_slice %arg5[%run_scoped3A, %dma_start3A_210] : memref<2x128xi32, #tpu.memory_space<vmem>> -> memref<1x128xi32, #tpu.memory_space<vmem>>
          %dma_start3A_212 = tpu.memref_squeeze %dma_start3A_211 : memref<1x128xi32, #tpu.memory_space<vmem>> -> memref<128xi32, #tpu.memory_space<vmem>>
          %dma_start3A_213 = arith.constant 0 : i32
          %dma_start3A_214 = arith.constant 0 : i32
          %dma_start3A_215 = tpu.memref_slice %arg12[%dma_start3A_213, %dma_start3A_214] : memref<10240x128xf32, #tpu.memory_space<vmem_shared>> -> memref<10240x128xf32, #tpu.memory_space<vmem_shared>>
          tpu.enqueue_indirect_dma source(%arg9 : memref<128x128xf32, #tpu.memory_space<vmem>>) target(%dma_start3A_215 : memref<10240x128xf32, #tpu.memory_space<vmem_shared>>) offsets(%dma_start3A_212 : memref<128xi32, #tpu.memory_space<vmem>>) semaphore(%run_scoped3A_209 : memref<!tpu.dma_semaphore, #tpu.memory_space<semaphore_mem>>) {add = true}
          %dma_wait3A_216 = arith.constant 0 : i32
          %dma_wait3A_217 = tpu.memref_slice %arg5[%run_scoped3A, %dma_wait3A_216] : memref<2x128xi32, #tpu.memory_space<vmem>> -> memref<1x128xi32, #tpu.memory_space<vmem>>
          %dma_wait3A_218 = tpu.memref_squeeze %dma_wait3A_217 : memref<1x128xi32, #tpu.memory_space<vmem>> -> memref<128xi32, #tpu.memory_space<vmem>>
          %dma_wait3A_219 = arith.constant 0 : i32
          %dma_wait3A_220 = arith.constant 0 : i32
          %dma_wait3A_221 = tpu.memref_slice %arg12[%dma_wait3A_219, %dma_wait3A_220] : memref<10240x128xf32, #tpu.memory_space<vmem_shared>> -> memref<10240x128xf32, #tpu.memory_space<vmem_shared>>
          tpu.wait_indirect_dma semaphore(%run_scoped3A_209 : memref<!tpu.dma_semaphore, #tpu.memory_space<semaphore_mem>>) src(%arg9 : memref<128x128xf32, #tpu.memory_space<vmem>>) dst(%dma_wait3A_221 : memref<10240x128xf32, #tpu.memory_space<vmem_shared>>)
          tpu.yield
        }) : () -> ()
      } else {
      }
      %mul3A_142 = arith.constant 4 : i32
      %mul3A_143 = arith.muli %mul3A_142, %while3A_124 : i32
      %add3A_144 = arith.constant 1 : i32
      %add3A_145 = arith.addi %mul3A_143, %add3A_144 : i32
      %add3A_146 = arith.constant 1 : i32
      %add3A_147 = arith.addi %add3A_145, %add3A_146 : i32
      %lt3A_148 = arith.cmpi slt, %add3A_147, %sub3A_44 : i32
      %convert_element_type3A_149 = arith.extui %lt3A_148 : i1 to i32
      %cond3A_150 = arith.constant 0 : i32
      %cond3A_151 = arith.cmpi ne, %convert_element_type3A_149, %cond3A_150 : i32
      scf.if %cond3A_151 {
        %add3A_202 = arith.constant 1 : i32
        %add3A_203 = arith.addi %add3A_145, %add3A_202 : i32
        %mul3A_204 = arith.constant 128 : i32
        %mul3A_205 = arith.muli %add3A_203, %mul3A_204 : i32
        %add3A_206 = arith.addi %mul3A_46, %mul3A_205 : i32
        %dma_wait3A_207 = arith.constant 0 : i32
        %dma_wait3A_208 = tpu.memref_slice %arg3[%dma_wait3A_207, %add3A_206] : memref<2x320000xi32, #tpu.memory_space<hbm>> -> memref<2x128xi32, #tpu.memory_space<hbm>>
        %dma_wait3A_209 = arith.constant 0 : i32
        %dma_wait3A_210 = tpu.memref_slice %arg3[%dma_wait3A_209, %add3A_206] : memref<2x320000xi32, #tpu.memory_space<hbm>> -> memref<2x128xi32, #tpu.memory_space<hbm>>
        tpu.wait_dma2 semaphore(%arg15 : memref<!tpu.dma_semaphore, #tpu.memory_space<semaphore_mem>>) src(%dma_wait3A_210 : memref<2x128xi32, #tpu.memory_space<hbm>>) dst(%arg7 : memref<2x128xi32, #tpu.memory_space<vmem>>)
        %dma_start3A_211 = arith.constant 0 : i32
        %dma_start3A_212 = arith.constant 0 : i32
        %dma_start3A_213 = tpu.memref_slice %arg7[%dma_start3A_211, %dma_start3A_212] : memref<2x128xi32, #tpu.memory_space<vmem>> -> memref<1x128xi32, #tpu.memory_space<vmem>>
        %dma_start3A_214 = tpu.memref_squeeze %dma_start3A_213 : memref<1x128xi32, #tpu.memory_space<vmem>> -> memref<128xi32, #tpu.memory_space<vmem>>
        %dma_start3A_215 = arith.constant 0 : i32
        %dma_start3A_216 = arith.constant 0 : i32
        %dma_start3A_217 = tpu.memref_slice %arg2[%dma_start3A_215, %dma_start3A_216] : memref<10000x128xf32, #tpu.memory_space<hbm>> -> memref<10000x128xf32, #tpu.memory_space<hbm>>
        tpu.enqueue_indirect_dma source(%dma_start3A_217 : memref<10000x128xf32, #tpu.memory_space<hbm>>) target(%arg9 : memref<128x128xf32, #tpu.memory_space<vmem>>) offsets(%dma_start3A_214 : memref<128xi32, #tpu.memory_space<vmem>>) semaphore(%arg17 : memref<!tpu.dma_semaphore, #tpu.memory_space<semaphore_mem>>)
      } else {
      }
      %add3A_152 = arith.constant 2 : i32
      %add3A_153 = arith.addi %add3A_145, %add3A_152 : i32
      %lt3A_154 = arith.cmpi slt, %add3A_153, %sub3A_44 : i32
      %convert_element_type3A_155 = arith.extui %lt3A_154 : i1 to i32
      %cond3A_156 = arith.constant 0 : i32
      %cond3A_157 = arith.cmpi ne, %convert_element_type3A_155, %cond3A_156 : i32
      scf.if %cond3A_157 {
        %add3A_202 = arith.constant 2 : i32
        %add3A_203 = arith.addi %add3A_145, %add3A_202 : i32
        %mul3A_204 = arith.constant 128 : i32
        %mul3A_205 = arith.muli %add3A_203, %mul3A_204 : i32
        %add3A_206 = arith.addi %mul3A_46, %mul3A_205 : i32
        %dma_start3A_207 = arith.constant 0 : i32
        %dma_start3A_208 = tpu.memref_slice %arg3[%dma_start3A_207, %add3A_206] : memref<2x320000xi32, #tpu.memory_space<hbm>> -> memref<2x128xi32, #tpu.memory_space<hbm>>
        %dma_start3A_209 = arith.constant 0 : i32
        %dma_start3A_210 = tpu.memref_slice %arg3[%dma_start3A_209, %add3A_206] : memref<2x320000xi32, #tpu.memory_space<hbm>> -> memref<2x128xi32, #tpu.memory_space<hbm>>
        tpu.enqueue_dma source(%dma_start3A_210 : memref<2x128xi32, #tpu.memory_space<hbm>>) target(%arg8 : memref<2x128xi32, #tpu.memory_space<vmem>>) target_semaphore(%arg16 : memref<!tpu.dma_semaphore, #tpu.memory_space<semaphore_mem>>)
      } else {
      }
      %lt3A_158 = arith.cmpi slt, %add3A_145, %sub3A_44 : i32
      %convert_element_type3A_159 = arith.extui %lt3A_158 : i1 to i32
      %cond3A_160 = arith.constant 0 : i32
      %cond3A_161 = arith.cmpi ne, %convert_element_type3A_159, %cond3A_160 : i32
      scf.if %cond3A_161 {
        %dma_wait3A_202 = arith.constant 0 : i32
        %dma_wait3A_203 = arith.constant 0 : i32
        %dma_wait3A_204 = tpu.memref_slice %arg6[%dma_wait3A_202, %dma_wait3A_203] : memref<2x128xi32, #tpu.memory_space<vmem>> -> memref<1x128xi32, #tpu.memory_space<vmem>>
        %dma_wait3A_205 = tpu.memref_squeeze %dma_wait3A_204 : memref<1x128xi32, #tpu.memory_space<vmem>> -> memref<128xi32, #tpu.memory_space<vmem>>
        %dma_wait3A_206 = arith.constant 0 : i32
        %dma_wait3A_207 = arith.constant 0 : i32
        %dma_wait3A_208 = tpu.memref_slice %arg2[%dma_wait3A_206, %dma_wait3A_207] : memref<10000x128xf32, #tpu.memory_space<hbm>> -> memref<10000x128xf32, #tpu.memory_space<hbm>>
        tpu.wait_indirect_dma semaphore(%arg18 : memref<!tpu.dma_semaphore, #tpu.memory_space<semaphore_mem>>) src(%dma_wait3A_208 : memref<10000x128xf32, #tpu.memory_space<hbm>>) dst(%arg10 : memref<128x128xf32, #tpu.memory_space<vmem>>)
        %run_scoped3A = arith.constant 1 : i32
        "tpu.region"() ({
          %run_scoped3A_209 = tpu.sem_alloc : memref<!tpu.dma_semaphore, #tpu.memory_space<semaphore_mem>>
          %dma_start3A_210 = arith.constant 0 : i32
          %dma_start3A_211 = tpu.memref_slice %arg6[%run_scoped3A, %dma_start3A_210] : memref<2x128xi32, #tpu.memory_space<vmem>> -> memref<1x128xi32, #tpu.memory_space<vmem>>
          %dma_start3A_212 = tpu.memref_squeeze %dma_start3A_211 : memref<1x128xi32, #tpu.memory_space<vmem>> -> memref<128xi32, #tpu.memory_space<vmem>>
          %dma_start3A_213 = arith.constant 0 : i32
          %dma_start3A_214 = arith.constant 0 : i32
          %dma_start3A_215 = tpu.memref_slice %arg12[%dma_start3A_213, %dma_start3A_214] : memref<10240x128xf32, #tpu.memory_space<vmem_shared>> -> memref<10240x128xf32, #tpu.memory_space<vmem_shared>>
          tpu.enqueue_indirect_dma source(%arg10 : memref<128x128xf32, #tpu.memory_space<vmem>>) target(%dma_start3A_215 : memref<10240x128xf32, #tpu.memory_space<vmem_shared>>) offsets(%dma_start3A_212 : memref<128xi32, #tpu.memory_space<vmem>>) semaphore(%run_scoped3A_209 : memref<!tpu.dma_semaphore, #tpu.memory_space<semaphore_mem>>) {add = true}
          %dma_wait3A_216 = arith.constant 0 : i32
          %dma_wait3A_217 = tpu.memref_slice %arg6[%run_scoped3A, %dma_wait3A_216] : memref<2x128xi32, #tpu.memory_space<vmem>> -> memref<1x128xi32, #tpu.memory_space<vmem>>
          %dma_wait3A_218 = tpu.memref_squeeze %dma_wait3A_217 : memref<1x128xi32, #tpu.memory_space<vmem>> -> memref<128xi32, #tpu.memory_space<vmem>>
          %dma_wait3A_219 = arith.constant 0 : i32
          %dma_wait3A_220 = arith.constant 0 : i32
          %dma_wait3A_221 = tpu.memref_slice %arg12[%dma_wait3A_219, %dma_wait3A_220] : memref<10240x128xf32, #tpu.memory_space<vmem_shared>> -> memref<10240x128xf32, #tpu.memory_space<vmem_shared>>
          tpu.wait_indirect_dma semaphore(%run_scoped3A_209 : memref<!tpu.dma_semaphore, #tpu.memory_space<semaphore_mem>>) src(%arg10 : memref<128x128xf32, #tpu.memory_space<vmem>>) dst(%dma_wait3A_221 : memref<10240x128xf32, #tpu.memory_space<vmem_shared>>)
          tpu.yield
        }) : () -> ()
      } else {
      }
      %mul3A_162 = arith.constant 4 : i32
      %mul3A_163 = arith.muli %mul3A_162, %while3A_124 : i32
      %add3A_164 = arith.constant 2 : i32
      %add3A_165 = arith.addi %mul3A_163, %add3A_164 : i32
      %add3A_166 = arith.constant 1 : i32
      %add3A_167 = arith.addi %add3A_165, %add3A_166 : i32
      %lt3A_168 = arith.cmpi slt, %add3A_167, %sub3A_44 : i32
      %convert_element_type3A_169 = arith.extui %lt3A_168 : i1 to i32
      %cond3A_170 = arith.constant 0 : i32
      %cond3A_171 = arith.cmpi ne, %convert_element_type3A_169, %cond3A_170 : i32
      scf.if %cond3A_171 {
        %add3A_202 = arith.constant 1 : i32
        %add3A_203 = arith.addi %add3A_165, %add3A_202 : i32
        %mul3A_204 = arith.constant 128 : i32
        %mul3A_205 = arith.muli %add3A_203, %mul3A_204 : i32
        %add3A_206 = arith.addi %mul3A_46, %mul3A_205 : i32
        %dma_wait3A_207 = arith.constant 0 : i32
        %dma_wait3A_208 = tpu.memref_slice %arg3[%dma_wait3A_207, %add3A_206] : memref<2x320000xi32, #tpu.memory_space<hbm>> -> memref<2x128xi32, #tpu.memory_space<hbm>>
        %dma_wait3A_209 = arith.constant 0 : i32
        %dma_wait3A_210 = tpu.memref_slice %arg3[%dma_wait3A_209, %add3A_206] : memref<2x320000xi32, #tpu.memory_space<hbm>> -> memref<2x128xi32, #tpu.memory_space<hbm>>
        tpu.wait_dma2 semaphore(%arg16 : memref<!tpu.dma_semaphore, #tpu.memory_space<semaphore_mem>>) src(%dma_wait3A_210 : memref<2x128xi32, #tpu.memory_space<hbm>>) dst(%arg8 : memref<2x128xi32, #tpu.memory_space<vmem>>)
        %dma_start3A_211 = arith.constant 0 : i32
        %dma_start3A_212 = arith.constant 0 : i32
        %dma_start3A_213 = tpu.memref_slice %arg8[%dma_start3A_211, %dma_start3A_212] : memref<2x128xi32, #tpu.memory_space<vmem>> -> memref<1x128xi32, #tpu.memory_space<vmem>>
        %dma_start3A_214 = tpu.memref_squeeze %dma_start3A_213 : memref<1x128xi32, #tpu.memory_space<vmem>> -> memref<128xi32, #tpu.memory_space<vmem>>
        %dma_start3A_215 = arith.constant 0 : i32
        %dma_start3A_216 = arith.constant 0 : i32
        %dma_start3A_217 = tpu.memref_slice %arg2[%dma_start3A_215, %dma_start3A_216] : memref<10000x128xf32, #tpu.memory_space<hbm>> -> memref<10000x128xf32, #tpu.memory_space<hbm>>
        tpu.enqueue_indirect_dma source(%dma_start3A_217 : memref<10000x128xf32, #tpu.memory_space<hbm>>) target(%arg10 : memref<128x128xf32, #tpu.memory_space<vmem>>) offsets(%dma_start3A_214 : memref<128xi32, #tpu.memory_space<vmem>>) semaphore(%arg18 : memref<!tpu.dma_semaphore, #tpu.memory_space<semaphore_mem>>)
      } else {
      }
      %add3A_172 = arith.constant 2 : i32
      %add3A_173 = arith.addi %add3A_165, %add3A_172 : i32
      %lt3A_174 = arith.cmpi slt, %add3A_173, %sub3A_44 : i32
      %convert_element_type3A_175 = arith.extui %lt3A_174 : i1 to i32
      %cond3A_176 = arith.constant 0 : i32
      %cond3A_177 = arith.cmpi ne, %convert_element_type3A_175, %cond3A_176 : i32
      scf.if %cond3A_177 {
        %add3A_202 = arith.constant 2 : i32
        %add3A_203 = arith.addi %add3A_165, %add3A_202 : i32
        %mul3A_204 = arith.constant 128 : i32
        %mul3A_205 = arith.muli %add3A_203, %mul3A_204 : i32
        %add3A_206 = arith.addi %mul3A_46, %mul3A_205 : i32
        %dma_start3A_207 = arith.constant 0 : i32
        %dma_start3A_208 = tpu.memref_slice %arg3[%dma_start3A_207, %add3A_206] : memref<2x320000xi32, #tpu.memory_space<hbm>> -> memref<2x128xi32, #tpu.memory_space<hbm>>
        %dma_start3A_209 = arith.constant 0 : i32
        %dma_start3A_210 = tpu.memref_slice %arg3[%dma_start3A_209, %add3A_206] : memref<2x320000xi32, #tpu.memory_space<hbm>> -> memref<2x128xi32, #tpu.memory_space<hbm>>
        tpu.enqueue_dma source(%dma_start3A_210 : memref<2x128xi32, #tpu.memory_space<hbm>>) target(%arg5 : memref<2x128xi32, #tpu.memory_space<vmem>>) target_semaphore(%arg13 : memref<!tpu.dma_semaphore, #tpu.memory_space<semaphore_mem>>)
      } else {
      }
      %lt3A_178 = arith.cmpi slt, %add3A_165, %sub3A_44 : i32
      %convert_element_type3A_179 = arith.extui %lt3A_178 : i1 to i32
      %cond3A_180 = arith.constant 0 : i32
      %cond3A_181 = arith.cmpi ne, %convert_element_type3A_179, %cond3A_180 : i32
      scf.if %cond3A_181 {
        %dma_wait3A_202 = arith.constant 0 : i32
        %dma_wait3A_203 = arith.constant 0 : i32
        %dma_wait3A_204 = tpu.memref_slice %arg7[%dma_wait3A_202, %dma_wait3A_203] : memref<2x128xi32, #tpu.memory_space<vmem>> -> memref<1x128xi32, #tpu.memory_space<vmem>>
        %dma_wait3A_205 = tpu.memref_squeeze %dma_wait3A_204 : memref<1x128xi32, #tpu.memory_space<vmem>> -> memref<128xi32, #tpu.memory_space<vmem>>
        %dma_wait3A_206 = arith.constant 0 : i32
        %dma_wait3A_207 = arith.constant 0 : i32
        %dma_wait3A_208 = tpu.memref_slice %arg2[%dma_wait3A_206, %dma_wait3A_207] : memref<10000x128xf32, #tpu.memory_space<hbm>> -> memref<10000x128xf32, #tpu.memory_space<hbm>>
        tpu.wait_indirect_dma semaphore(%arg17 : memref<!tpu.dma_semaphore, #tpu.memory_space<semaphore_mem>>) src(%dma_wait3A_208 : memref<10000x128xf32, #tpu.memory_space<hbm>>) dst(%arg9 : memref<128x128xf32, #tpu.memory_space<vmem>>)
        %run_scoped3A = arith.constant 1 : i32
        "tpu.region"() ({
          %run_scoped3A_209 = tpu.sem_alloc : memref<!tpu.dma_semaphore, #tpu.memory_space<semaphore_mem>>
          %dma_start3A_210 = arith.constant 0 : i32
          %dma_start3A_211 = tpu.memref_slice %arg7[%run_scoped3A, %dma_start3A_210] : memref<2x128xi32, #tpu.memory_space<vmem>> -> memref<1x128xi32, #tpu.memory_space<vmem>>
          %dma_start3A_212 = tpu.memref_squeeze %dma_start3A_211 : memref<1x128xi32, #tpu.memory_space<vmem>> -> memref<128xi32, #tpu.memory_space<vmem>>
          %dma_start3A_213 = arith.constant 0 : i32
          %dma_start3A_214 = arith.constant 0 : i32
          %dma_start3A_215 = tpu.memref_slice %arg12[%dma_start3A_213, %dma_start3A_214] : memref<10240x128xf32, #tpu.memory_space<vmem_shared>> -> memref<10240x128xf32, #tpu.memory_space<vmem_shared>>
          tpu.enqueue_indirect_dma source(%arg9 : memref<128x128xf32, #tpu.memory_space<vmem>>) target(%dma_start3A_215 : memref<10240x128xf32, #tpu.memory_space<vmem_shared>>) offsets(%dma_start3A_212 : memref<128xi32, #tpu.memory_space<vmem>>) semaphore(%run_scoped3A_209 : memref<!tpu.dma_semaphore, #tpu.memory_space<semaphore_mem>>) {add = true}
          %dma_wait3A_216 = arith.constant 0 : i32
          %dma_wait3A_217 = tpu.memref_slice %arg7[%run_scoped3A, %dma_wait3A_216] : memref<2x128xi32, #tpu.memory_space<vmem>> -> memref<1x128xi32, #tpu.memory_space<vmem>>
          %dma_wait3A_218 = tpu.memref_squeeze %dma_wait3A_217 : memref<1x128xi32, #tpu.memory_space<vmem>> -> memref<128xi32, #tpu.memory_space<vmem>>
          %dma_wait3A_219 = arith.constant 0 : i32
          %dma_wait3A_220 = arith.constant 0 : i32
          %dma_wait3A_221 = tpu.memref_slice %arg12[%dma_wait3A_219, %dma_wait3A_220] : memref<10240x128xf32, #tpu.memory_space<vmem_shared>> -> memref<10240x128xf32, #tpu.memory_space<vmem_shared>>
          tpu.wait_indirect_dma semaphore(%run_scoped3A_209 : memref<!tpu.dma_semaphore, #tpu.memory_space<semaphore_mem>>) src(%arg9 : memref<128x128xf32, #tpu.memory_space<vmem>>) dst(%dma_wait3A_221 : memref<10240x128xf32, #tpu.memory_space<vmem_shared>>)
          tpu.yield
        }) : () -> ()
      } else {
      }
      %mul3A_182 = arith.constant 4 : i32
      %mul3A_183 = arith.muli %mul3A_182, %while3A_124 : i32
      %add3A_184 = arith.constant 3 : i32
      %add3A_185 = arith.addi %mul3A_183, %add3A_184 : i32
      %add3A_186 = arith.constant 1 : i32
      %add3A_187 = arith.addi %add3A_185, %add3A_186 : i32
      %lt3A_188 = arith.cmpi slt, %add3A_187, %sub3A_44 : i32
      %convert_element_type3A_189 = arith.extui %lt3A_188 : i1 to i32
      %cond3A_190 = arith.constant 0 : i32
      %cond3A_191 = arith.cmpi ne, %convert_element_type3A_189, %cond3A_190 : i32
      scf.if %cond3A_191 {
        %add3A_202 = arith.constant 1 : i32
        %add3A_203 = arith.addi %add3A_185, %add3A_202 : i32
        %mul3A_204 = arith.constant 128 : i32
        %mul3A_205 = arith.muli %add3A_203, %mul3A_204 : i32
        %add3A_206 = arith.addi %mul3A_46, %mul3A_205 : i32
        %dma_wait3A_207 = arith.constant 0 : i32
        %dma_wait3A_208 = tpu.memref_slice %arg3[%dma_wait3A_207, %add3A_206] : memref<2x320000xi32, #tpu.memory_space<hbm>> -> memref<2x128xi32, #tpu.memory_space<hbm>>
        %dma_wait3A_209 = arith.constant 0 : i32
        %dma_wait3A_210 = tpu.memref_slice %arg3[%dma_wait3A_209, %add3A_206] : memref<2x320000xi32, #tpu.memory_space<hbm>> -> memref<2x128xi32, #tpu.memory_space<hbm>>
        tpu.wait_dma2 semaphore(%arg13 : memref<!tpu.dma_semaphore, #tpu.memory_space<semaphore_mem>>) src(%dma_wait3A_210 : memref<2x128xi32, #tpu.memory_space<hbm>>) dst(%arg5 : memref<2x128xi32, #tpu.memory_space<vmem>>)
        %dma_start3A_211 = arith.constant 0 : i32
        %dma_start3A_212 = arith.constant 0 : i32
        %dma_start3A_213 = tpu.memref_slice %arg5[%dma_start3A_211, %dma_start3A_212] : memref<2x128xi32, #tpu.memory_space<vmem>> -> memref<1x128xi32, #tpu.memory_space<vmem>>
        %dma_start3A_214 = tpu.memref_squeeze %dma_start3A_213 : memref<1x128xi32, #tpu.memory_space<vmem>> -> memref<128xi32, #tpu.memory_space<vmem>>
        %dma_start3A_215 = arith.constant 0 : i32
        %dma_start3A_216 = arith.constant 0 : i32
        %dma_start3A_217 = tpu.memref_slice %arg2[%dma_start3A_215, %dma_start3A_216] : memref<10000x128xf32, #tpu.memory_space<hbm>> -> memref<10000x128xf32, #tpu.memory_space<hbm>>
        tpu.enqueue_indirect_dma source(%dma_start3A_217 : memref<10000x128xf32, #tpu.memory_space<hbm>>) target(%arg9 : memref<128x128xf32, #tpu.memory_space<vmem>>) offsets(%dma_start3A_214 : memref<128xi32, #tpu.memory_space<vmem>>) semaphore(%arg17 : memref<!tpu.dma_semaphore, #tpu.memory_space<semaphore_mem>>)
      } else {
      }
      %add3A_192 = arith.constant 2 : i32
      %add3A_193 = arith.addi %add3A_185, %add3A_192 : i32
      %lt3A_194 = arith.cmpi slt, %add3A_193, %sub3A_44 : i32
      %convert_element_type3A_195 = arith.extui %lt3A_194 : i1 to i32
      %cond3A_196 = arith.constant 0 : i32
      %cond3A_197 = arith.cmpi ne, %convert_element_type3A_195, %cond3A_196 : i32
      scf.if %cond3A_197 {
        %add3A_202 = arith.constant 2 : i32
        %add3A_203 = arith.addi %add3A_185, %add3A_202 : i32
        %mul3A_204 = arith.constant 128 : i32
        %mul3A_205 = arith.muli %add3A_203, %mul3A_204 : i32
        %add3A_206 = arith.addi %mul3A_46, %mul3A_205 : i32
        %dma_start3A_207 = arith.constant 0 : i32
        %dma_start3A_208 = tpu.memref_slice %arg3[%dma_start3A_207, %add3A_206] : memref<2x320000xi32, #tpu.memory_space<hbm>> -> memref<2x128xi32, #tpu.memory_space<hbm>>
        %dma_start3A_209 = arith.constant 0 : i32
        %dma_start3A_210 = tpu.memref_slice %arg3[%dma_start3A_209, %add3A_206] : memref<2x320000xi32, #tpu.memory_space<hbm>> -> memref<2x128xi32, #tpu.memory_space<hbm>>
        tpu.enqueue_dma source(%dma_start3A_210 : memref<2x128xi32, #tpu.memory_space<hbm>>) target(%arg6 : memref<2x128xi32, #tpu.memory_space<vmem>>) target_semaphore(%arg14 : memref<!tpu.dma_semaphore, #tpu.memory_space<semaphore_mem>>)
      } else {
      }
      %lt3A_198 = arith.cmpi slt, %add3A_185, %sub3A_44 : i32
      %convert_element_type3A_199 = arith.extui %lt3A_198 : i1 to i32
      %cond3A_200 = arith.constant 0 : i32
      %cond3A_201 = arith.cmpi ne, %convert_element_type3A_199, %cond3A_200 : i32
      scf.if %cond3A_201 {
        %dma_wait3A_202 = arith.constant 0 : i32
        %dma_wait3A_203 = arith.constant 0 : i32
        %dma_wait3A_204 = tpu.memref_slice %arg8[%dma_wait3A_202, %dma_wait3A_203] : memref<2x128xi32, #tpu.memory_space<vmem>> -> memref<1x128xi32, #tpu.memory_space<vmem>>
        %dma_wait3A_205 = tpu.memref_squeeze %dma_wait3A_204 : memref<1x128xi32, #tpu.memory_space<vmem>> -> memref<128xi32, #tpu.memory_space<vmem>>
        %dma_wait3A_206 = arith.constant 0 : i32
        %dma_wait3A_207 = arith.constant 0 : i32
        %dma_wait3A_208 = tpu.memref_slice %arg2[%dma_wait3A_206, %dma_wait3A_207] : memref<10000x128xf32, #tpu.memory_space<hbm>> -> memref<10000x128xf32, #tpu.memory_space<hbm>>
        tpu.wait_indirect_dma semaphore(%arg18 : memref<!tpu.dma_semaphore, #tpu.memory_space<semaphore_mem>>) src(%dma_wait3A_208 : memref<10000x128xf32, #tpu.memory_space<hbm>>) dst(%arg10 : memref<128x128xf32, #tpu.memory_space<vmem>>)
        %run_scoped3A = arith.constant 1 : i32
        "tpu.region"() ({
          %run_scoped3A_209 = tpu.sem_alloc : memref<!tpu.dma_semaphore, #tpu.memory_space<semaphore_mem>>
          %dma_start3A_210 = arith.constant 0 : i32
          %dma_start3A_211 = tpu.memref_slice %arg8[%run_scoped3A, %dma_start3A_210] : memref<2x128xi32, #tpu.memory_space<vmem>> -> memref<1x128xi32, #tpu.memory_space<vmem>>
          %dma_start3A_212 = tpu.memref_squeeze %dma_start3A_211 : memref<1x128xi32, #tpu.memory_space<vmem>> -> memref<128xi32, #tpu.memory_space<vmem>>
          %dma_start3A_213 = arith.constant 0 : i32
          %dma_start3A_214 = arith.constant 0 : i32
          %dma_start3A_215 = tpu.memref_slice %arg12[%dma_start3A_213, %dma_start3A_214] : memref<10240x128xf32, #tpu.memory_space<vmem_shared>> -> memref<10240x128xf32, #tpu.memory_space<vmem_shared>>
          tpu.enqueue_indirect_dma source(%arg10 : memref<128x128xf32, #tpu.memory_space<vmem>>) target(%dma_start3A_215 : memref<10240x128xf32, #tpu.memory_space<vmem_shared>>) offsets(%dma_start3A_212 : memref<128xi32, #tpu.memory_space<vmem>>) semaphore(%run_scoped3A_209 : memref<!tpu.dma_semaphore, #tpu.memory_space<semaphore_mem>>) {add = true}
          %dma_wait3A_216 = arith.constant 0 : i32
          %dma_wait3A_217 = tpu.memref_slice %arg8[%run_scoped3A, %dma_wait3A_216] : memref<2x128xi32, #tpu.memory_space<vmem>> -> memref<1x128xi32, #tpu.memory_space<vmem>>
          %dma_wait3A_218 = tpu.memref_squeeze %dma_wait3A_217 : memref<1x128xi32, #tpu.memory_space<vmem>> -> memref<128xi32, #tpu.memory_space<vmem>>
          %dma_wait3A_219 = arith.constant 0 : i32
          %dma_wait3A_220 = arith.constant 0 : i32
          %dma_wait3A_221 = tpu.memref_slice %arg12[%dma_wait3A_219, %dma_wait3A_220] : memref<10240x128xf32, #tpu.memory_space<vmem_shared>> -> memref<10240x128xf32, #tpu.memory_space<vmem_shared>>
          tpu.wait_indirect_dma semaphore(%run_scoped3A_209 : memref<!tpu.dma_semaphore, #tpu.memory_space<semaphore_mem>>) src(%arg10 : memref<128x128xf32, #tpu.memory_space<vmem>>) dst(%dma_wait3A_221 : memref<10240x128xf32, #tpu.memory_space<vmem_shared>>)
          tpu.yield
        }) : () -> ()
      } else {
      }
    }
    %barrier3A_119 = arith.constant 0 : index
    tpu.barrier barrier_id(%barrier3A_119)
    %mul3A_120 = arith.constant 640 : i32
    %mul3A_121 = arith.muli %arg1, %mul3A_120 : i32
    %mul3A_122 = arith.constant 640 : i32
    %mul3A_123 = arith.muli %arg1, %mul3A_122 : i32
    "tpu.region"() ({
      %run_scoped3A = tpu.sem_alloc : memref<!tpu.dma_semaphore, #tpu.memory_space<semaphore_mem>>
      %dma_start3A_124 = arith.constant 0 : i32
      %dma_start3A_125 = tpu.memref_slice %arg4[%mul3A_123, %dma_start3A_124] : memref<10240x128xf32, #tpu.memory_space<hbm>> -> memref<640x128xf32, #tpu.memory_space<hbm>>
      %dma_start3A_126 = arith.constant 0 : i32
      %dma_start3A_127 = tpu.memref_slice %arg12[%mul3A_121, %dma_start3A_126] : memref<10240x128xf32, #tpu.memory_space<vmem_shared>> -> memref<640x128xf32, #tpu.memory_space<vmem_shared>>
      tpu.enqueue_dma source(%dma_start3A_127 : memref<640x128xf32, #tpu.memory_space<vmem_shared>>) target(%dma_start3A_125 : memref<640x128xf32, #tpu.memory_space<hbm>>) target_semaphore(%run_scoped3A : memref<!tpu.dma_semaphore, #tpu.memory_space<semaphore_mem>>)
      %dma_wait3A_128 = arith.constant 0 : i32
      %dma_wait3A_129 = tpu.memref_slice %arg4[%mul3A_123, %dma_wait3A_128] : memref<10240x128xf32, #tpu.memory_space<hbm>> -> memref<640x128xf32, #tpu.memory_space<hbm>>
      %dma_wait3A_130 = arith.constant 0 : i32
      %dma_wait3A_131 = tpu.memref_slice %arg12[%mul3A_121, %dma_wait3A_130] : memref<10240x128xf32, #tpu.memory_space<vmem_shared>> -> memref<640x128xf32, #tpu.memory_space<vmem_shared>>
      tpu.wait_dma2 semaphore(%run_scoped3A : memref<!tpu.dma_semaphore, #tpu.memory_space<semaphore_mem>>) src(%dma_wait3A_131 : memref<640x128xf32, #tpu.memory_space<vmem_shared>>) dst(%dma_wait3A_129 : memref<640x128xf32, #tpu.memory_space<hbm>>)
      tpu.yield
    }) : () -> ()
    return
  }
}

module attributes {stable_mosaic.version = 14 : i64} {
  func.func @_normalize_body(%arg0: i32, %arg1: memref<2000x128xf32, #tpu.memory_space<vmem>>, %arg2: memref<2000x128xf32, #tpu.memory_space<vmem>>, %arg3: memref<2000x128xf32, #tpu.memory_space<vmem>>) attributes {dimension_semantics = [#tpu.dimension_semantics<arbitrary>], iteration_bounds = array<i64: 5>, scalar_prefetch = 0 : i64, scratch_operands = 0 : i64, tpu.core_type = #tpu.core_type<tc>, window_params = [{transform_indices = @transform_0, window_bounds = array<i64: 2000, 128>}, {transform_indices = @transform_1, window_bounds = array<i64: 2000, 128>}, {transform_indices = @transform_2, window_bounds = array<i64: 2000, 128>}]} {
    %lt3A = arith.constant 1 : i32
    %lt3A_0 = arith.cmpi slt, %arg0, %lt3A : i32
    %get3A = arith.constant 0 : index
    %get3A_1 = arith.constant 0 : index
    %get3A_2 = vector.load %arg1[%get3A, %get3A_1] : memref<2000x128xf32, #tpu.memory_space<vmem>>, vector<2000x128xf32>
    %get3A_3 = arith.constant 0 : index
    %get3A_4 = arith.constant 0 : index
    %get3A_5 = vector.load %arg2[%get3A_3, %get3A_4] : memref<2000x128xf32, #tpu.memory_space<vmem>>, vector<2000x128xf32>
    %select_n3A = arith.select %lt3A_0, %get3A_2, %get3A_5 : vector<2000x128xf32>
    %mul3A = arith.mulf %select_n3A, %select_n3A : vector<2000x128xf32>
    %reduce_sum3A = arith.constant dense<0.000000e+00> : vector<2000xf32>
    %reduce_sum3A_6 = vector.multi_reduction <add>, %mul3A, %reduce_sum3A [1] : vector<2000x128xf32> to vector<2000xf32>
    %broadcast_in_dim3A = vector.shape_cast %reduce_sum3A_6 : vector<2000xf32> to vector<2000x1xf32>
    %max3A = arith.constant 1.000000e-24 : f32
    %max3A_7 = vector.broadcast %max3A : f32 to vector<2000x1xf32>
    %max3A_8 = arith.maximumf %broadcast_in_dim3A, %max3A_7 : vector<2000x1xf32>
    %rsqrt3A = math.rsqrt %max3A_8 : vector<2000x1xf32>
    %mul3A_9 = vector.broadcast %rsqrt3A : vector<2000x1xf32> to vector<2000x128xf32>
    %mul3A_10 = arith.mulf %select_n3A, %mul3A_9 : vector<2000x128xf32>
    %swap3A = arith.constant 0 : index
    %swap3A_11 = arith.constant 0 : index
    %swap3A_12 = vector.load %arg3[%swap3A, %swap3A_11] : memref<2000x128xf32, #tpu.memory_space<vmem>>, vector<2000x128xf32>
    tpu.vector_store %arg3[%swap3A, %swap3A_11], %mul3A_10 {strides = array<i32>} : memref<2000x128xf32, #tpu.memory_space<vmem>>, vector<2000x128xf32>,
    return
  }
  func.func @transform_0(%arg0: i32) -> (i32, i32) {
    %min3A = arith.constant 0 : i32
    %min3A_0 = arith.minsi %arg0, %min3A : i32
    %c0_i32 = arith.constant 0 : i32
    %c0_i32_1 = arith.constant 0 : i32
    return %min3A_0, %c0_i32 : i32, i32
  }
  func.func @transform_1(%arg0: i32) -> (i32, i32) {
    %sub3A = arith.constant 1 : i32
    %sub3A_0 = arith.subi %arg0, %sub3A : i32
    %max3A = arith.constant 0 : i32
    %max3A_1 = arith.maxsi %sub3A_0, %max3A : i32
    %c0_i32 = arith.constant 0 : i32
    %c0_i32_2 = arith.constant 0 : i32
    return %max3A_1, %c0_i32 : i32, i32
  }
  func.func @transform_2(%arg0: i32) -> (i32, i32) {
    %c0_i32 = arith.constant 0 : i32
    %c0_i32_0 = arith.constant 0 : i32
    return %arg0, %c0_i32 : i32, i32
  }
}

module attributes {stable_mosaic.version = 14 : i64} {
  func.func @_combine_body(%arg0: i32, %arg1: memref<2000x128xf32, #tpu.memory_space<vmem>>, %arg2: memref<2000x128xf32, #tpu.memory_space<vmem>>, %arg3: memref<128x128xf32, #tpu.memory_space<vmem>>, %arg4: memref<2000x128xf32, #tpu.memory_space<vmem>>) attributes {dimension_semantics = [#tpu.dimension_semantics<arbitrary>], iteration_bounds = array<i64: 5>, scalar_prefetch = 0 : i64, scratch_operands = 0 : i64, tpu.core_type = #tpu.core_type<tc>, window_params = [{transform_indices = @transform_0, window_bounds = array<i64: 2000, 128>}, {transform_indices = @transform_1, window_bounds = array<i64: 2000, 128>}, {pipeline_mode = #tpu.pipeline_mode<synchronous>, transform_indices = @transform_2, window_bounds = array<i64: 128, 128>}, {transform_indices = @transform_3, window_bounds = array<i64: 2000, 128>}]} {
    %get3A = arith.constant 0 : index
    %get3A_0 = arith.constant 0 : index
    %get3A_1 = vector.load %arg1[%get3A, %get3A_0] : memref<2000x128xf32, #tpu.memory_space<vmem>>, vector<2000x128xf32>
    %convert_element_type3A = arith.truncf %get3A_1 : vector<2000x128xf32> to vector<2000x128xbf16>
    %get3A_2 = arith.constant 0 : index
    %get3A_3 = arith.constant 0 : index
    %get3A_4 = vector.load %arg3[%get3A_2, %get3A_3] : memref<128x128xf32, #tpu.memory_space<vmem>>, vector<128x128xf32>
    %convert_element_type3A_5 = arith.truncf %get3A_4 : vector<128x128xf32> to vector<128x128xbf16>
    %dot_general3A = arith.constant dense<0.000000e+00> : vector<2000x128xf32>
    %dot_general3A_6 = tpu.matmul %convert_element_type3A, %convert_element_type3A_5, %dot_general3A {dimension_numbers = #tpu.dot_dimension_numbers<[1], [0], [0], [1], [0, 0, 1, 1], [], []>, transpose_lhs_hint = false} : vector<2000x128xbf16>, vector<128x128xbf16>, vector<2000x128xf32> -> vector<2000x128xf32>
    %get3A_7 = arith.constant 0 : index
    %get3A_8 = arith.constant 0 : index
    %get3A_9 = vector.load %arg2[%get3A_7, %get3A_8] : memref<2000x128xf32, #tpu.memory_space<vmem>>, vector<2000x128xf32>
    %add3A = arith.addf %dot_general3A_6, %get3A_9 : vector<2000x128xf32>
    %swap3A = arith.constant 0 : index
    %swap3A_10 = arith.constant 0 : index
    %swap3A_11 = vector.load %arg4[%swap3A, %swap3A_10] : memref<2000x128xf32, #tpu.memory_space<vmem>>, vector<2000x128xf32>
    tpu.vector_store %arg4[%swap3A, %swap3A_10], %add3A {strides = array<i32>} : memref<2000x128xf32, #tpu.memory_space<vmem>>, vector<2000x128xf32>,
    return
  }
  func.func @transform_0(%arg0: i32) -> (i32, i32) {
    %c0_i32 = arith.constant 0 : i32
    %c0_i32_0 = arith.constant 0 : i32
    return %arg0, %c0_i32 : i32, i32
  }
  func.func @transform_1(%arg0: i32) -> (i32, i32) {
    %c0_i32 = arith.constant 0 : i32
    %c0_i32_0 = arith.constant 0 : i32
    return %arg0, %c0_i32 : i32, i32
  }
  func.func @transform_2(%arg0: i32) -> (i32, i32) {
    %c0_i32 = arith.constant 0 : i32
    %c0_i32_0 = arith.constant 0 : i32
    %c0_i32_1 = arith.constant 0 : i32
    return %c0_i32, %c0_i32_0 : i32, i32
  }
  func.func @transform_3(%arg0: i32) -> (i32, i32) {
    %c0_i32 = arith.constant 0 : i32
    %c0_i32_0 = arith.constant 0 : i32
    return %arg0, %c0_i32 : i32, i32
  }
}

</mosaic_0001>

<sc_bundles>
// kernel: kernel.5.cloned.1.call-start
scs
__scs_entry_jumppad:
0x0: {  	(pc) =	sbr.rel $0x88, $3  }
0x1: {  	(tag) =	ssettag $0x0;
	lr =	simm.s32 $0x1  }
0x2: {  	[smem:$0x3F9D] =	sst lr;
	_ =	strace $0xD0000000  }
0x3: {  	_ = 	snop  }
0x4: {  	_ = 	snop  }
0x5: {  	_ = 	snop  }
0x6: {  	_ = 	snop  }
0x7: {  	_ = 	snop  }
__scs_overlays_trampoline_lowered:
0x8: {  	[smem:$0x3FAC] =	sst s0  }
0x9: {  	[smem:$0x3FAD] =	sst s1  }
0xa: {  	[smem:$0x3FAE] =	sst s2  }
0xb: {  	[smem:$0x3FAF] =	sst s3  }
0xc: {  	[smem:$0x3FB0] =	sst s4  }
0xd: {  	[smem:$0x3FB1] =	sst s5  }
0xe: {  	[smem:$0x3FB2] =	sst s6  }
0xf: {  	[smem:$0x3FB3] =	sst s7  }
0x10: {  	[smem:$0x3FB4] =	sst s8  }
0x11: {  	[smem:$0x3FB5] =	sst s9;
	s0 =	simm.s32 @!p0 $0x0  }
0x12: {  	s1 =	sld [smem:$0x3F9B];
	s0 =	simm.s32 @p0 $0x1  }
0x13: {  	[smem:$0x3FB6] =	sst s0;
	s0 =	simm.s32 @!p1 $0x0  }
0x14: {  	s2 =	sld [smem:$0x3F9A];
	s0 =	simm.s32 @p1 $0x1  }
0x15: {  	[smem:$0x3FB7] =	sst s0;
	s0 =	simm.s32 @!p2 $0x0  }
0x16: {  	s3 =	sld [smem:$0x3FDB];
	s0 =	simm.s32 @p2 $0x1  }
0x17: {  	s4 =	simm.s32 $0x1BF5;
	[smem:$0x3FB9] =	sst s0  }
0x18: {  	s0 =	sld [smem:$0x3F9C];
	_ =	swait.ge [sflag:s4], $0x0  }
0x19: {  	s7 =	sld [smem:$0x3F9D]  }
0x1a: {  	s8 =	sadd.s32 $0xFFFFE003, lr  }
0x1b: {  	s9 =	sadd.s32 $0xFFFFFEF7, lr;
	s5 =	simm.s32 $0xFFFFFFFF;
	p2 =	slt.u32 s8, $0xFFFFF086  }
0x1c: {  	p1 =	slt.u32 s9, $0xF7A;
	s5 =	simm.s32 @!p2 $0x0  }
0x1d: {  	s5 =	simm.s32 @p1 $0x1;
	p0 =	seq.s32 s7, s2  }
0x1e: {  	s7 =	smul.u32 @!p0 $0xF7A, s2;
	p2 =	seq.s32 @!p0 s5, $0x0  }
0x1f: {  	s9 =	smul.u32 $0xF7A, s1;
	s8 =	simm.s32 @!p0 $0x1BF5;
	p2 =	por !p2, p0  }
0x20: {  	[sflag:s8] =	ssyncset.s32 @!p0 $0xFFFFF086;
	s6 =	sadd.s32 @!p0 s3, s7;
	s7 =	simm.s32 @!p0 $0x108  }
0x21: {  	s3 =	sadd.s32 s3, s9;
	s6 =	sadd.s32 @!p0 $0x88, s6;
	s7 =	simm.s32 @p2 $0x1082  }
0x22: {  	[simem:s7], [sflag:s8] =	dma.local @!p0 [hbm:s6], $0xF7A  }
0x23: {  	s9 =	sor.u32 $0xD0000000, s2;
	s6 =	simm.s32 $0x108;
	_ =	swait.ge @!p0 [sflag:s8], $0x0  }
0x24: {  	s3 =	sadd.s32 $0x88, s3;
	s6 =	simm.s32 @!p1 $0x1082;
	[sflag:s4] =	ssyncset.s32 $0xFFFFF086  }
0x25: {  	[simem:s6], [sflag:s4] =	dma.local [hbm:s3], $0xF7A  }
0x26: {  	[smem:$0x3F9D] =	sst s1;
	(tag) =	ssettag s2;
	_ =	strace s9  }
0x27: {  	s1 =	sld [smem:$0x3FAD]  }
0x28: {  	s2 =	sld [smem:$0x3FAE]  }
0x29: {  	s4 =	sld [smem:$0x3FB0]  }
0x2a: {  	p0 =	seq.s32 s5, $0x0;
	s5 =	sld [smem:$0x3FB1]  }
0x2b: {  	s6 =	sld [smem:$0x3FB2]  }
0x2c: {  	s7 =	sld [smem:$0x3FB3]  }
0x2d: {  	s3 =	simm.s32 $0x108;
	s8 =	sld [smem:$0x3FB4]  }
0x2e: {  	s3 =	simm.s32 @!p0 $0x1082;
	s9 =	sld [smem:$0x3FB5]  }
0x2f: {  	lr =	sadd.s32 s0, s3;
	s0 =	sld [smem:$0x3FAC]  }
0x30: {  	s3 =	sld [smem:$0x3FAF]  }
0x31: {  	[smem:$0x3FB8] =	sst s10  }
0x32: {  	s10 =	sld [smem:$0x3FB6];
	_ =	sdelay $0x3  }
0x33: {  	p0 =	seq.s32 s10, $0x1;
	s10 =	sld [smem:$0x3FB8];
	_ =	sdelay $0x3  }
0x34: {  	[smem:$0x3FB8] =	sst s10  }
0x35: {  	s10 =	sld [smem:$0x3FB7];
	_ =	sdelay $0x3  }
0x36: {  	p1 =	seq.s32 s10, $0x1;
	s10 =	sld [smem:$0x3FB8];
	_ =	sdelay $0x3  }
0x37: {  	[smem:$0x3FB8] =	sst s10  }
0x38: {  	s10 =	sld [smem:$0x3FB9]  }
0x39: {  	_ = 	snop;
	(pc) =	sbr.ind lr, $3  }
0x3a: {  	_ = 	snop  }
0x3b: {  	_ = 	snop  }
0x3c: {  	p2 =	seq.s32 s10, $0x1;
	s10 =	sld [smem:$0x3FB8]  }
0x3d: {  	_ =	shalt  }
0x3e: {  	_ =	shalt  }
0x3f: {  	_ =	shalt  }
0x40: {  	_ =	shalt  }
0x41: {  	_ =	shalt  }
0x42: {  	_ =	shalt  }
0x43: {  	_ =	shalt  }
0x44: {  	_ =	shalt  }
0x45: {  	_ =	shalt  }
0x46: {  	_ =	shalt  }
0x47: {  	_ =	shalt  }
0x48: {  	_ =	shalt  }
0x49: {  	_ =	shalt  }
0x4a: {  	_ =	shalt  }
0x4b: {  	_ =	shalt  }
0x4c: {  	_ =	shalt  }
0x4d: {  	_ =	shalt  }
0x4e: {  	_ =	shalt  }
0x4f: {  	_ =	shalt  }
0x50: {  	_ =	shalt  }
0x51: {  	_ =	shalt  }
0x52: {  	_ =	shalt  }
0x53: {  	_ =	shalt  }
0x54: {  	_ =	shalt  }
0x55: {  	_ =	shalt  }
0x56: {  	_ =	shalt  }
0x57: {  	_ =	shalt  }
0x58: {  	_ =	shalt  }
0x59: {  	_ =	shalt  }
0x5a: {  	_ =	shalt  }
0x5b: {  	_ =	shalt  }
0x5c: {  	_ =	shalt  }
0x5d: {  	_ =	shalt  }
0x5e: {  	_ =	shalt  }
0x5f: {  	_ =	shalt  }
0x60: {  	_ =	shalt  }
0x61: {  	_ =	shalt  }
0x62: {  	_ =	shalt  }
0x63: {  	_ =	shalt  }
0x64: {  	_ =	shalt  }
0x65: {  	_ =	shalt  }
0x66: {  	_ =	shalt  }
0x67: {  	_ =	shalt  }
0x68: {  	_ =	shalt  }
0x69: {  	_ =	shalt  }
0x6a: {  	_ =	shalt  }
0x6b: {  	_ =	shalt  }
0x6c: {  	_ =	shalt  }
0x6d: {  	_ =	shalt  }
0x6e: {  	_ =	shalt  }
0x6f: {  	_ =	shalt  }
0x70: {  	_ =	shalt  }
0x71: {  	_ =	shalt  }
0x72: {  	_ =	shalt  }
0x73: {  	_ =	shalt  }
0x74: {  	_ =	shalt  }
0x75: {  	_ =	shalt  }
0x76: {  	_ =	shalt  }
0x77: {  	_ =	shalt  }
0x78: {  	_ =	shalt  }
0x79: {  	_ =	shalt  }
0x7a: {  	_ =	shalt  }
0x7b: {  	_ =	shalt  }
0x7c: {  	_ =	shalt  }
0x7d: {  	_ =	shalt  }
0x7e: {  	_ =	shalt  }
0x7f: {  	_ =	shalt  }
0x80: {  	_ =	shalt  }
0x81: {  	_ =	shalt  }
0x82: {  	_ =	shalt  }
0x83: {  	_ =	shalt  }
0x84: {  	_ =	shalt  }
0x85: {  	_ =	shalt  }
0x86: {  	_ =	shalt  }
0x87: {  	_ =	shalt  }
.Lfunc_end0:
.L_simem_size_0:
called_computation_lowered:
.L_overlay_start_0:
0x88: {  	s0 =	sld [smem:$0x3FD9]  }
0x89: {  	s1 =	sld [smem:$0x3FFE];
	_ =	sdelay $0x3  }
0x8a: {  	s0 =	sadd.s32 s1, s0  }
0x8b: {  	[smem:$0x3FC4] =	sst s0  }
0x8c: {  	_ = 	snop  }
0x8d: {  	s0 =	sld [smem:$0x3FD0];
	_ =	sdelay $0x2  }
0x8e: {  	s2 =	simm.s32 $0xA;
	s3 =	simm.s32 $0x10;
	s13 =	sld [smem:$0x3FC9]  }
0x8f: {  	[smem:s3], [sflag:s2] =	dma.local [hbm:s0], $0x1  }
0x90: {  	_ =	swait.eq [sflag:s2], $0x1  }
0x91: {  	[sflag:s2] =	ssyncset.done $0x0  }
0x92: {  	[sflag:s2] =	ssyncadd.s32 $0xFFFFFFFF  }
0x93: {  	s14 =	sld [smem:$0x10];
	(tm) =	ssettm $0x1  }
0x94: {  	s15 =	sld [smem:$0x3FFB];
	_ =	sdelay $0x3  }
0x95: {  	_ =	strace s15  }
0x96: {  	s2 =	sld [smem:$0x3FFC];
	_ =	sdelay $0x3  }
0x97: {  	_ =	strace s2  }
0x98: {  	s2 =	sld [smem:$0x3FFD];
	_ =	sdelay $0x3  }
0x99: {  	_ =	strace s2  }
0x9a: {  	_ =	strace $0x8FFFFFFF  }
0x9b: {  	s16 =	sld [smem:$0x3FDB];
	_ =	sdelay $0x1  }
0x9c: {  	s17 =	simm.s32 $_scs_section_size  }
0x9d: {  	s4 =	simm.s32 $_size__tile_overlayer_lowered;
	s5 =	simm.s32 $_tile_overlayer_lowered  }
0x9e: {  	s20 =	simm.s32 $0x1BFF;
	s19 =	sshll.u32 s5, $0x1;
	s2 =	sadd.s32 s17, s16  }
0x9f: {  	s6 =	simm.s32 $0x0;
	s18 =	sshll.u32 s4, $0x1;
	s4 =	sadd.s32 s19, s2  }
0xa0: {  	[timem:s6], [sflag:s20] =	dma.local [hbm:s4], s18  }
0xa1: {  	_ =	swait.ge [sflag:s20], s18  }
0xa2: {  	s3 =	ssub.s32 $0x0, s18;
	[sflag:s20] =	ssyncset.done $0x0  }
0xa3: {  	[sflag:s20] =	ssyncadd.s32 s3;
	_ =	sdelay $0x1  }
0xa4: {  	s21 =	simm.s32 $0x1B8B  }
0xa5: {  	_ =	swait.ge [sflag:s21], $0x1  }
0xa6: {  	[sflag:s21] =	ssyncset.done $0x0  }
0xa7: {  	s23 =	simm.s32 $0x1B8E;
	s22 =	sld [smem:$0x3FFE];
	[sflag:s21] =	ssyncadd.s32 $0xFFFFFFFF  }
0xa8: {  	s24 =	simm.s32 $execute0_lowered;
	[smem:$0x3FD2] =	sst s23  }
0xa9: {  	s4 =	sshll.u32 s24, $0x1;
	_ =	strace $0x80000046;
	[dreg:$0x1] =	wrdreg $0xFFFFFFFF  }
0xaa: {  	s25 =	simm.s32 $_size_execute0_lowered;
	s2 =	sadd.s32 s2, s4;
	[dreg:$0x0] =	wrdreg $0x0  }
0xab: {  	s4 =	sshll.u32 s25, $0x1;
	[dreg:$0x2] =	wrdreg s2  }
0xac: {  	[dreg:$0x3] =	wrdreg s4  }
0xad: {  	[dreg:$0x4] =	wrdreg $0xC0  }
0xae: {  	_ =	task [dreg:s6], $0x5FFFF  }
0xaf: {  	[dreg:$0x1] =	wrdreg $0xFFFFFFFF  }
0xb0: {  	[dreg:$0x0] =	wrdreg $0x60  }
0xb1: {  	[dreg:$0x2] =	wrdreg s14  }
0xb2: {  	[dreg:$0x3] =	wrdreg s13  }
0xb3: {  	[dreg:$0x4] =	wrdreg s22  }
0xb4: {  	[dreg:$0x5] =	wrdreg $0xA4000  }
0xb5: {  	[dreg:$0x6] =	wrdreg $0x9  }
0xb6: {  	_ =	task.clear_ibuf [dreg:s6], $0x7FFFF;
	_ =	strace $0x90000046  }
0xb7: {  	s26 =	simm.s32 $0x9;
	_ =	strace $0x80000048  }
0xb8: {  	_ =	swait.ge [sflag:s26], $0x1  }
0xb9: {  	[sflag:s26] =	ssyncadd.s32 $0xFFFFFFFF  }
0xba: {  	_ =	strace $0x90000048  }
0xbb: {  	_ =	sfence  }
0xbc: {  	s28 =	sld [smem:$0x0];
	_ =	sdelay $0x1  }
0xbd: {  	s29 =	srdreg.scid  }
0xbe: {  	s30 =	sshll.u32 s29, $0xD;
	s31 =	sshrl.u32 s29, $0x2  }
0xbf: {  	s1 =	sand.u32 $0x1, s29;
	s2 =	sand.u32 $0x4000, s30;
	s0 =	sadd.s32 s31, s28  }
0xc0: {  	s1 =	sor.u32 s2, s1;
	s0 =	sshll.u32 s0, $0x11  }
0xc1: {  	s0 =	sor.u32 s0, s1  }
0xc2: {  	s0 =	sadd.s32 $0x8F2B, s0  }
0xc3: {  	[sflag:s0] =	ssyncadd.remote.s32 $0x1  }
0xc4: {  	_ =	sfence.sel $0xFFFF  }
0xc5: {  	[dreg:$0x0] =	wrdreg $0xFFFFFFFF;
	(pc) =	sbr.abs _section_cstart, $3  }
0xc6: {  	[dreg:$0x1] =	wrdreg $0xFFFFFFFF  }
0xc7: {  	_ =	task.clear_ibuf [dreg:s6], $0x2FFFF;
	_ =	strace $0x9FFFFFFF  }
0xc8: {  	(tm) =	ssettm $0x7FFFFFFF  }
0xc9: {  	_ =	shalt  }
tec
execute0_lowered:
.L_overlay_start_1:
0x0: {  	(tag) =	ssettag $0x1  }
0x1: {  	s3 =	rddreg [dreg:$0x0];
	s0 =	stileid.u32  }
0x2: {  	s7 =	rddreg [dreg:$0x1];
	s5 =	smul.u32 $0x9C4, s0  }
0x3: {  	s4 =	rddreg [dreg:$0x2]  }
0x4: {  	s2 =	rddreg [dreg:$0x3];
	s6 =	simm.s32 $0x0;
	s10 =	sshrl.u32 s5, $0x4  }
0x5: {  	[smem:$0x7FF] =	sst s6;
	s9 =	sshll.u32 s10, $0x5  }
0x6: {  	s1 =	rddreg [dreg:$0x4];
	_ =	strace $0x80000047;
	s8 =	sadd.s32 s7, s9  }
0x7: {  	[tilespmem:s6], [sflag:$0x1] =	stream.linear.gather [hbm4b:s8+s6], $0x100, $0x38;
	[tilespmem:$0x1E400] =	vst v63  }
0x8: {  	s11 =	simm.s32 $0x100;
	s8 =	sadd.s32 $0x20, s8  }
0x9: {  	[tilespmem:s11], [sflag:$0x2] =	stream.linear.gather [hbm4b:s8+s6], $0x100, $0x38;
	[tilespmem:$0x1E400] =	vst v63  }
0xa: {  	v0 =	vimm.f32 $0.0e+00;
	s6 =	sadd.s32 $0x1200, s4;
	s4 =	simm.s32 $0x0;
	s8 =	simm.s32 $0x200  }
.LBB2_1:
0xb: {  	p0 =	sne.s32 s8, $0x7E00;
	[tilespmem:s4+$0x8470] =	vst v0  }
0xc: {  	[tilespmem:s4+$0x8400] =	vst v0  }
0xd: {  	[tilespmem:s4+$0x8410] =	vst v0  }
.Ltmp0:
0xe: {  	[tilespmem:s4+$0x8420] =	vst v0;
	(pc) =	sbr.rel @p0 .LBB2_1-.Ltmp0, $4  }
0xf: {  	[tilespmem:s4+$0x8430] =	vst v0  }
0x10: {  	[tilespmem:s4+$0x8440] =	vst v0  }
0x11: {  	[tilespmem:s4+$0x8450] =	vst v0  }
0x12: {  	[tilespmem:s4+$0x8460] =	vst v0;
	s4 =	sshra.s32 s8, $0x2;
	s8 =	sadd.s32 $0x200, s8  }
0x13: {  	[tilespmem:s4+$0x8470] =	vst v0  }
0x14: {  	[tilespmem:s4+$0x8400] =	vst v0  }
0x15: {  	[tilespmem:s4+$0x8410] =	vst v0  }
0x16: {  	[tilespmem:s4+$0x8420] =	vst v0  }
0x17: {  	[tilespmem:s4+$0x8430] =	vst v0  }
0x18: {  	[tilespmem:s4+$0x8440] =	vst v0  }
0x19: {  	[tilespmem:s4+$0x8450] =	vst v0  }
0x1a: {  	[tilespmem:s4+$0x8460] =	vst v0;
	s11 =	simm.s32 $0x1  }
0x1b: {  	s16 =	smul.u32 $0x50000, s0;
	_ =	swait.ge [sflag:s11], $0x100  }
0x1c: {  	s12 =	simm.s32 $0x80;
	s8 =	simm.s32 $0x0;
	[sflag:s11] =	ssyncset.done $0x0  }
0x1d: {  	s13 =	simm.s32 $0x400;
	s4 =	sshrl.u32 s16, $0x2;
	[sflag:s11] =	ssyncadd.s32 $0xFFFFFF00  }
0x1e: {  	[tilespmem:s13], [sflag:$0x5] =	stream.indirect.gather [hbm4b:s3+s12], $0x80, s8, s12, $0xb8;
	[tilespmem:$0x1E400] =	vst v63  }
0x1f: {  	s17 =	simm.s32 $0x8400;
	s4 =	sadd.s32 s4, s2  }
0x20: {  	[spmem:s4] =	stream.linear.scatter [tilespmem:s17], [sflag:$0x7], $0x2000, $0x38;
	[tilespmem:$0x1E400] =	vst v63  }
0x21: {  	s18 =	sadd.s32 $0x2000, s4  }
0x22: {  	[spmem:s18] =	stream.linear.scatter [tilespmem:s17], [sflag:$0x7], $0x2000, $0x38;
	[tilespmem:$0x1E400] =	vst v63  }
0x23: {  	s19 =	sadd.s32 $0x4000, s4  }
0x24: {  	[spmem:s19] =	stream.linear.scatter [tilespmem:s17], [sflag:$0x7], $0x2000, $0x38;
	[tilespmem:$0x1E400] =	vst v63  }
0x25: {  	s20 =	sadd.s32 $0x6000, s4  }
0x26: {  	[spmem:s20] =	stream.linear.scatter [tilespmem:s17], [sflag:$0x7], $0x2000, $0x38;
	[tilespmem:$0x1E400] =	vst v63  }
0x27: {  	s21 =	sadd.s32 $0x8000, s4  }
0x28: {  	[spmem:s21] =	stream.linear.scatter [tilespmem:s17], [sflag:$0x7], $0x2000, $0x38;
	[tilespmem:$0x1E400] =	vst v63  }
0x29: {  	s22 =	sadd.s32 $0xA000, s4  }
0x2a: {  	[spmem:s22] =	stream.linear.scatter [tilespmem:s17], [sflag:$0x7], $0x2000, $0x38;
	[tilespmem:$0x1E400] =	vst v63  }
0x2b: {  	s23 =	sadd.s32 $0xC000, s4  }
0x2c: {  	[spmem:s23] =	stream.linear.scatter [tilespmem:s17], [sflag:$0x7], $0x2000, $0x38;
	[tilespmem:$0x1E400] =	vst v63  }
0x2d: {  	s24 =	sadd.s32 $0xE000, s4  }
0x2e: {  	[spmem:s24] =	stream.linear.scatter [tilespmem:s17], [sflag:$0x7], $0x2000, $0x38;
	[tilespmem:$0x1E400] =	vst v63  }
0x2f: {  	s25 =	sadd.s32 $0x10000, s4  }
0x30: {  	[spmem:s25] =	stream.linear.scatter [tilespmem:s17], [sflag:$0x7], $0x2000, $0x38;
	[tilespmem:$0x1E400] =	vst v63  }
0x31: {  	s28 =	simm.s32 $0x7;
	s26 =	sadd.s32 $0x12000, s4  }
0x32: {  	[spmem:s26] =	stream.linear.scatter [tilespmem:s17], [sflag:$0x7], $0x2000, $0x38;
	[tilespmem:$0x1E400] =	vst v63  }
0x33: {  	_ =	swait.ge [sflag:s28], $0x2000  }
0x34: {  	[sflag:s28] =	ssyncset.done $0x0  }
0x35: {  	[sflag:s28] =	ssyncadd.s32 $0xFFFFE000  }
0x36: {  	_ =	swait.ge [sflag:s28], $0x2000  }
0x37: {  	[sflag:s28] =	ssyncset.done $0x0  }
0x38: {  	[sflag:s28] =	ssyncadd.s32 $0xFFFFE000  }
0x39: {  	_ =	swait.ge [sflag:s28], $0x2000  }
0x3a: {  	[sflag:s28] =	ssyncset.done $0x0  }
0x3b: {  	[sflag:s28] =	ssyncadd.s32 $0xFFFFE000  }
0x3c: {  	_ =	swait.ge [sflag:s28], $0x2000  }
0x3d: {  	[sflag:s28] =	ssyncset.done $0x0  }
0x3e: {  	[sflag:s28] =	ssyncadd.s32 $0xFFFFE000  }
0x3f: {  	_ =	swait.ge [sflag:s28], $0x2000  }
0x40: {  	[sflag:s28] =	ssyncset.done $0x0  }
0x41: {  	[sflag:s28] =	ssyncadd.s32 $0xFFFFE000  }
0x42: {  	_ =	swait.ge [sflag:s28], $0x2000  }
0x43: {  	s5 =	sadd.s32 $0x9C4, s5;
	[sflag:s28] =	ssyncset.done $0x0  }
0x44: {  	s5 =	sshrl.u32 s5, $0x4;
	[sflag:s28] =	ssyncadd.s32 $0xFFFFE000  }
0x45: {  	s5 =	ssub.s32 s5, s10;
	_ =	swait.ge [sflag:s28], $0x2000  }
0x46: {  	s10 =	sadd.s32 $0x3, s5;
	p1 =	slt.s32 s5, $0xFFFFFFFE;
	[sflag:s28] =	ssyncset.done $0x0  }
0x47: {  	s29 =	sand.u32 $0x3, s10;
	s30 =	sshrl.u32 s10, $0x1D;
	[sflag:s28] =	ssyncadd.s32 $0xFFFFE000  }
0x48: {  	p0 =	sne.s32 s29, $0x0;
	s13 =	sand.u32 $0x3, s30;
	_ =	swait.ge [sflag:s28], $0x2000  }
0x49: {  	s10 =	sadd.s32 s13, s10;
	p0 =	por !p1, !p0;
	[sflag:s28] =	ssyncset.done $0x0  }
0x4a: {  	s10 =	sshll.u32 s10, $0x10;
	p0 =	por !p0, !p0;
	[sflag:s28] =	ssyncadd.s32 $0xFFFFE000  }
0x4b: {  	s10 =	sshra.s32 s10, $0x12;
	s11 =	simm.s32 @!p0 $0x0;
	_ =	swait.ge [sflag:s28], $0x2000  }
0x4c: {  	s10 =	ssub.s32 s10, s11;
	[sflag:s28] =	ssyncset.done $0x0  }
0x4d: {  	p0 =	slt.s32 s10, $0x1;
	[sflag:s28] =	ssyncadd.s32 $0xFFFFE000  }
.Ltmp1:
0x4e: {  	_ =	swait.ge [sflag:s28], $0x2000;
	(pc) =	sbr.rel @p0 .LBB2_8-.Ltmp1, $4  }
0x4f: {  	[sflag:s28] =	ssyncset.done $0x0  }
0x50: {  	s31 =	smul.u32 $0x2800, s0;
	[sflag:s28] =	ssyncadd.s32 $0xFFFFE000  }
0x51: {  	[bflag:$0x0] =	sbarrier.arrive $0xFFFF  }
0x52: {  	s6 =	sadd.s32 s6, s31  }
0x53: {  	s10 =	sadd.s32 $0xFFFFFFFF, s10  }
0x54: {  	p1 =	sne.s32 s10, $0x0  }
.Ltmp2:
0x55: {  	_ = 	snop;
	(pc) =	sbr.rel @!p1 .LBB2_4-.Ltmp2, $4  }
0x56: {  	_ = 	snop  }
0x57: {  	s11 =	sadd.s32 $0xFFFFFFFF, s5  }
0x58: {  	s7 =	sadd.s32 s9, s7;
	s9 =	simm.s32 $0x5;
	[dreg:$0x5] =	wrdreg s11  }
0x59: {  	p0 =	por $0x0, $0x0;
	s7 =	sadd.s32 $0x60, s7;
	s13 =	rddreg [dreg:$0x5]  }
0x5a: {  	p2 =	sle.s32 s13, $0x0  }
0x5b: {  	s8 =	simm.s32 @!p2 $0x2  }
0x5c: {  	p1 =	sle.s32 s5, $0x0;
	p0 =	sle.s32 s5, $0x2;
	_ =	swait.ge @!p2 [sflag:s8], $0x100  }
0x5d: {  	s9 =	simm.s32 @!p2 $0x100;
	s11 =	simm.s32 @!p2 $0x4400;
	[sflag:s8] =	ssyncset.done @!p2 $0x0  }
0x5e: {  	s12 =	simm.s32 @!p1 $0x5;
	[sflag:s8] =	ssyncadd.s32 @!p2 $0xFFFFFF00;
	s8 =	simm.s32 @!p2 $0x80  }
0x5f: {  	[tilespmem:s11], [sflag:$0x6] =	stream.indirect.gather @!p2 [hbm4b:s3+s8], $0x80, s9, s8, $0xb8;
	[tilespmem:$0x1E400] =	vst v63  }
0x60: {  	s13 =	simm.s32 @!p0 $0x0;
	s14 =	simm.s32 @!p0 $0x200;
	s9 =	sadd.s32 @!p0 $0xFFFFFFE0, s7  }
0x61: {  	[tilespmem:s14], [sflag:$0x3] =	stream.linear.gather @!p0 [hbm4b:s9+s13], $0x100, $0x38;
	[tilespmem:$0x1E400] =	vst v63  }
0x62: {  	_ =	swait.ge @!p1 [sflag:s12], $0x4000  }
0x63: {  	s9 =	simm.s32 @!p1 $0x9;
	[sflag:s12] =	ssyncset.done @!p1 $0x0  }
0x64: {  	s13 =	simm.s32 @!p1 $0x400;
	[sflag:s12] =	ssyncadd.s32 @!p1 $0xFFFFC000;
	s12 =	simm.s32 @!p1 $0x80  }
0x65: {  	[spmem:s2] =	stream.indirect.scatter.add.f32 @!p1 [tilespmem:s13], [sflag:$0x9], $0x80, s12, s12, $0xb8;
	[tilespmem:$0x1E400] =	vst v63  }
0x66: {  	_ =	swait.ge @!p1 [sflag:s9], $0x4000  }
0x67: {  	[sflag:s9] =	ssyncset.done @!p1 $0x0  }
0x68: {  	[sflag:s9] =	ssyncadd.s32 @!p1 $0xFFFFC000;
	s9 =	simm.s32 @!p0 $0x3  }
0x69: {  	_ =	swait.ge @!p0 [sflag:s9], $0x100  }
0x6a: {  	s12 =	simm.s32 @!p0 $0x400;
	[sflag:s9] =	ssyncset.done @!p0 $0x0  }
0x6b: {  	p1 =	sle.s32 s5, $0x3;
	[sflag:s9] =	ssyncadd.s32 @!p0 $0xFFFFFF00;
	s9 =	simm.s32 @!p0 $0x80  }
0x6c: {  	[tilespmem:s12], [sflag:$0x5] =	stream.indirect.gather @!p0 [hbm4b:s3+s9], $0x80, s14, s9, $0xb8;
	[tilespmem:$0x1E400] =	vst v63  }
0x6d: {  	s15 =	simm.s32 @!p2 $0x6;
	s13 =	simm.s32 @!p1 $0x0;
	s14 =	simm.s32 @!p1 $0x300  }
0x6e: {  	[tilespmem:s14], [sflag:$0x4] =	stream.linear.gather @!p1 [hbm4b:s7+s13], $0x100, $0x38;
	[tilespmem:$0x1E400] =	vst v63  }
0x6f: {  	_ =	swait.ge @!p2 [sflag:s15], $0x4000  }
0x70: {  	[sflag:s15] =	ssyncset.done @!p2 $0x0  }
0x71: {  	s13 =	simm.s32 @!p2 $0x180;
	[sflag:s15] =	ssyncadd.s32 @!p2 $0xFFFFC000;
	s15 =	simm.s32 @!p2 $0x9  }
0x72: {  	[spmem:s2] =	stream.indirect.scatter.add.f32 @!p2 [tilespmem:s11], [sflag:$0x9], $0x80, s13, s8, $0xb8;
	[tilespmem:$0x1E400] =	vst v63  }
0x73: {  	_ =	swait.ge @!p2 [sflag:s15], $0x4000  }
0x74: {  	[sflag:s15] =	ssyncset.done @!p2 $0x0  }
0x75: {  	s8 =	simm.s32 @!p1 $0x4;
	[sflag:s15] =	ssyncadd.s32 @!p2 $0xFFFFC000  }
0x76: {  	_ =	swait.ge @!p1 [sflag:s8], $0x100  }
0x77: {  	s11 =	simm.s32 @!p1 $0x4400;
	[sflag:s8] =	ssyncset.done @!p1 $0x0  }
0x78: {  	p2 =	sle.s32 s5, $0x4;
	[sflag:s8] =	ssyncadd.s32 @!p1 $0xFFFFFF00;
	s8 =	simm.s32 @!p1 $0x80  }
0x79: {  	[tilespmem:s11], [sflag:$0x6] =	stream.indirect.gather @!p1 [hbm4b:s3+s8], $0x80, s14, s8, $0xb8;
	[tilespmem:$0x1E400] =	vst v63  }
0x7a: {  	s15 =	simm.s32 @!p0 $0x5;
	s13 =	sadd.s32 @!p2 $0x20, s7;
	s14 =	simm.s32 @!p2 $0x0  }
0x7b: {  	[tilespmem:s14], [sflag:$0x1] =	stream.linear.gather @!p2 [hbm4b:s13+s14], $0x100, $0x38;
	[tilespmem:$0x1E400] =	vst v63  }
0x7c: {  	_ =	swait.ge @!p0 [sflag:s15], $0x4000  }
0x7d: {  	[sflag:s15] =	ssyncset.done @!p0 $0x0  }
0x7e: {  	s13 =	simm.s32 @!p0 $0x280;
	[sflag:s15] =	ssyncadd.s32 @!p0 $0xFFFFC000;
	s15 =	simm.s32 @!p0 $0x9  }
0x7f: {  	[spmem:s2] =	stream.indirect.scatter.add.f32 @!p0 [tilespmem:s12], [sflag:$0x9], $0x80, s13, s9, $0xb8;
	[tilespmem:$0x1E400] =	vst v63  }
0x80: {  	_ =	swait.ge @!p0 [sflag:s15], $0x4000  }
0x81: {  	[sflag:s15] =	ssyncset.done @!p0 $0x0  }
0x82: {  	s9 =	simm.s32 @!p2 $0x1;
	[sflag:s15] =	ssyncadd.s32 @!p0 $0xFFFFC000  }
0x83: {  	s10 =	sadd.s32 $0xFFFFFFFF, s10;
	_ =	swait.ge @!p2 [sflag:s9], $0x100  }
0x84: {  	s12 =	simm.s32 @!p2 $0x400;
	p0 =	sle.s32 s5, $0x5;
	[sflag:s9] =	ssyncset.done @!p2 $0x0  }
0x85: {  	s13 =	simm.s32 @!p0 $0x100;
	[sflag:s9] =	ssyncadd.s32 @!p2 $0xFFFFFF00;
	s9 =	simm.s32 @!p2 $0x80  }
0x86: {  	[tilespmem:s12], [sflag:$0x5] =	stream.indirect.gather @!p2 [hbm4b:s3+s9], $0x80, s14, s9, $0xb8;
	[tilespmem:$0x1E400] =	vst v63  }
0x87: {  	s9 =	sadd.s32 @!p0 $0x40, s7;
	s12 =	simm.s32 @!p0 $0x0;
	s14 =	simm.s32 @!p1 $0x6  }
0x88: {  	[tilespmem:s13], [sflag:$0x2] =	stream.linear.gather @!p0 [hbm4b:s9+s12], $0x100, $0x38;
	[tilespmem:$0x1E400] =	vst v63  }
0x89: {  	p2 =	sne.s32 s10, $0x0;
	_ =	swait.ge @!p1 [sflag:s14], $0x4000  }
.Ltmp3:
0x8a: {  	s9 =	simm.s32 @!p1 $0x380;
	[sflag:s14] =	ssyncset.done @!p1 $0x0;
	(pc) =	sbr.rel @!p2 .LBB2_7-.Ltmp3, $4  }
0x8b: {  	s12 =	simm.s32 @!p1 $0x8;
	p0 =	por $0x1, $0x1;
	[sflag:s14] =	ssyncadd.s32 @!p1 $0xFFFFC000  }
0x8c: {  	[spmem:s2] =	stream.indirect.scatter.add.f32 @!p1 [tilespmem:s11], [sflag:$0x8], $0x80, s9, s8, $0xb8;
	[tilespmem:$0x1E400] =	vst v63  }
0x8d: {  	s8 =	simm.s32 $0x4;
	s9 =	simm.s32 $0x9;
	_ =	swait.ge @!p1 [sflag:s12], $0x4000  }
0x8e: {  	s11 =	smov.u32 s7;
	s13 =	rddreg [dreg:$0x5];
	[sflag:s12] =	ssyncset.done @!p1 $0x0  }
.LBB2_6:
0x8f: {  	[sflag:s12] =	ssyncadd.s32 @!p1 $0xFFFFC000;
	p4 =	sge.s32 s8, s13  }
0x90: {  	s11 =	sadd.s32 $0x80, s11;
	s29 =	sadd.s32 $0x2, s8;
	s12 =	simm.s32 @!p4 $0x2  }
0x91: {  	p1 =	sge.s32 s8, s5;
	s14 =	simm.s32 @!p4 $0x100;
	_ =	swait.ge @!p4 [sflag:s12], $0x100  }
0x92: {  	s15 =	simm.s32 @!p4 $0x4400;
	s16 =	simm.s32 @!p1 $0x5;
	[sflag:s12] =	ssyncset.done @!p4 $0x0  }
0x93: {  	p3 =	sge.s32 s29, s5;
	[sflag:s12] =	ssyncadd.s32 @!p4 $0xFFFFFF00;
	s12 =	simm.s32 @!p4 $0x80  }
0x94: {  	[tilespmem:s15], [sflag:$0x6] =	stream.indirect.gather @!p4 [hbm4b:s3+s12], $0x80, s14, s12, $0xb8;
	[tilespmem:$0x1E400] =	vst v63  }
0x95: {  	s13 =	sadd.s32 @!p3 $0xFFFFFFE0, s11;
	s17 =	simm.s32 @!p3 $0x200;
	s14 =	simm.s32 @!p3 $0x0  }
0x96: {  	[tilespmem:s17], [sflag:$0x3] =	stream.linear.gather @!p3 [hbm4b:s13+s14], $0x100, $0x38;
	[tilespmem:$0x1E400] =	vst v63  }
0x97: {  	_ =	swait.ge @!p1 [sflag:s16], $0x4000  }
0x98: {  	s13 =	simm.s32 @!p1 $0x9;
	[sflag:s16] =	ssyncset.done @!p1 $0x0  }
0x99: {  	s14 =	simm.s32 @!p1 $0x80;
	[sflag:s16] =	ssyncadd.s32 @!p1 $0xFFFFC000;
	s16 =	simm.s32 @!p1 $0x400  }
0x9a: {  	[spmem:s2] =	stream.indirect.scatter.add.f32 @!p1 [tilespmem:s16], [sflag:$0x9], $0x80, s14, s14, $0xb8;
	[tilespmem:$0x1E400] =	vst v63  }
0x9b: {  	_ =	swait.ge @!p1 [sflag:s13], $0x4000  }
0x9c: {  	[sflag:s13] =	ssyncset.done @!p1 $0x0  }
0x9d: {  	[sflag:s13] =	ssyncadd.s32 @!p1 $0xFFFFC000;
	s13 =	simm.s32 @!p3 $0x3  }
0x9e: {  	_ =	swait.ge @!p3 [sflag:s13], $0x100  }
0x9f: {  	s30 =	sadd.s32 $0x3, s8;
	s14 =	simm.s32 @!p3 $0x400;
	[sflag:s13] =	ssyncset.done @!p3 $0x0  }
0xa0: {  	p1 =	sge.s32 s30, s5;
	[sflag:s13] =	ssyncadd.s32 @!p3 $0xFFFFFF00;
	s13 =	simm.s32 @!p3 $0x80  }
0xa1: {  	[tilespmem:s14], [sflag:$0x5] =	stream.indirect.gather @!p3 [hbm4b:s3+s13], $0x80, s17, s13, $0xb8;
	[tilespmem:$0x1E400] =	vst v63  }
0xa2: {  	s18 =	simm.s32 @!p4 $0x6;
	s16 =	simm.s32 @!p1 $0x0;
	s17 =	simm.s32 @!p1 $0x300  }
0xa3: {  	[tilespmem:s17], [sflag:$0x4] =	stream.linear.gather @!p1 [hbm4b:s11+s16], $0x100, $0x38;
	[tilespmem:$0x1E400] =	vst v63  }
0xa4: {  	_ =	swait.ge @!p4 [sflag:s18], $0x4000  }
0xa5: {  	[sflag:s18] =	ssyncset.done @!p4 $0x0  }
0xa6: {  	s16 =	simm.s32 @!p4 $0x180;
	[sflag:s18] =	ssyncadd.s32 @!p4 $0xFFFFC000;
	s18 =	simm.s32 @!p4 $0x9  }
0xa7: {  	[spmem:s2] =	stream.indirect.scatter.add.f32 @!p4 [tilespmem:s15], [sflag:$0x9], $0x80, s16, s12, $0xb8;
	[tilespmem:$0x1E400] =	vst v63  }
0xa8: {  	_ =	swait.ge @!p4 [sflag:s18], $0x4000  }
0xa9: {  	[sflag:s18] =	ssyncset.done @!p4 $0x0  }
0xaa: {  	s12 =	simm.s32 @!p1 $0x4;
	[sflag:s18] =	ssyncadd.s32 @!p4 $0xFFFFC000  }
0xab: {  	_ =	swait.ge @!p1 [sflag:s12], $0x100  }
0xac: {  	s8 =	sadd.s32 $0x4, s8;
	s15 =	simm.s32 @!p1 $0x4400;
	[sflag:s12] =	ssyncset.done @!p1 $0x0  }
0xad: {  	s16 =	simm.s32 @!p1 $0x80;
	p4 =	sge.s32 s8, s5;
	[sflag:s12] =	ssyncadd.s32 @!p1 $0xFFFFFF00  }
0xae: {  	[tilespmem:s15], [sflag:$0x6] =	stream.indirect.gather @!p1 [hbm4b:s3+s16], $0x80, s17, s16, $0xb8;
	[tilespmem:$0x1E400] =	vst v63  }
0xaf: {  	s18 =	simm.s32 @!p3 $0x5;
	s12 =	sadd.s32 @!p4 $0x20, s11;
	s17 =	simm.s32 @!p4 $0x0  }
0xb0: {  	[tilespmem:s17], [sflag:$0x1] =	stream.linear.gather @!p4 [hbm4b:s12+s17], $0x100, $0x38;
	[tilespmem:$0x1E400] =	vst v63  }
0xb1: {  	_ =	swait.ge @!p3 [sflag:s18], $0x4000  }
0xb2: {  	[sflag:s18] =	ssyncset.done @!p3 $0x0  }
0xb3: {  	s19 =	simm.s32 @!p3 $0x9;
	[sflag:s18] =	ssyncadd.s32 @!p3 $0xFFFFC000;
	s18 =	simm.s32 @!p3 $0x280  }
0xb4: {  	[spmem:s2] =	stream.indirect.scatter.add.f32 @!p3 [tilespmem:s14], [sflag:$0x9], $0x80, s18, s13, $0xb8;
	[tilespmem:$0x1E400] =	vst v63  }
0xb5: {  	_ =	swait.ge @!p3 [sflag:s19], $0x4000  }
0xb6: {  	[sflag:s19] =	ssyncset.done @!p3 $0x0  }
0xb7: {  	s13 =	simm.s32 @!p4 $0x1;
	[sflag:s19] =	ssyncadd.s32 @!p3 $0xFFFFC000  }
0xb8: {  	s10 =	sadd.s32 $0xFFFFFFFF, s10;
	_ =	swait.ge @!p4 [sflag:s13], $0x100  }
0xb9: {  	s14 =	simm.s32 @!p4 $0x400;
	p3 =	sge.s32 s9, s5;
	[sflag:s13] =	ssyncset.done @!p4 $0x0  }
0xba: {  	s9 =	simm.s32 @!p4 $0x80;
	[sflag:s13] =	ssyncadd.s32 @!p4 $0xFFFFFF00;
	s13 =	simm.s32 @!p3 $0x100  }
0xbb: {  	[tilespmem:s14], [sflag:$0x5] =	stream.indirect.gather @!p4 [hbm4b:s3+s9], $0x80, s17, s9, $0xb8;
	[tilespmem:$0x1E400] =	vst v63  }
0xbc: {  	s9 =	sadd.s32 @!p3 $0x40, s11;
	s14 =	simm.s32 @!p3 $0x0;
	s17 =	simm.s32 @!p1 $0x6  }
0xbd: {  	[tilespmem:s13], [sflag:$0x2] =	stream.linear.gather @!p3 [hbm4b:s9+s14], $0x100, $0x38;
	[tilespmem:$0x1E400] =	vst v63  }
0xbe: {  	p2 =	sne.s32 s10, $0x0;
	_ =	swait.ge @!p1 [sflag:s17], $0x4000  }
.Ltmp4:
0xbf: {  	[sflag:s17] =	ssyncset.done @!p1 $0x0;
	(pc) =	sbr.rel @p2 .LBB2_6-.Ltmp4, $4  }
0xc0: {  	s12 =	simm.s32 @!p1 $0x8;
	s13 =	simm.s32 @!p1 $0x380;
	[sflag:s17] =	ssyncadd.s32 @!p1 $0xFFFFC000  }
0xc1: {  	[spmem:s2] =	stream.indirect.scatter.add.f32 @!p1 [tilespmem:s15], [sflag:$0x8], $0x80, s13, s16, $0xb8;
	[tilespmem:$0x1E400] =	vst v63  }
0xc2: {  	s31 =	sadd.s32 $0x5, s8;
	_ =	swait.ge @!p1 [sflag:s12], $0x4000  }
0xc3: {  	s9 =	smov.u32 s31;
	s13 =	rddreg [dreg:$0x5];
	[sflag:s12] =	ssyncset.done @!p1 $0x0  }
.LBB2_7:
0xc4: {  	p1 =	por p1, !p0  }
0xc5: {  	p2 =	sge.s32 s8, s13;
	s11 =	sadd.s32 @p0 $0x80, s11;
	s29 =	sadd.s32 $0x2, s8  }
0xc6: {  	p3 =	sge.s32 s8, s5;
	[sflag:s12] =	ssyncadd.s32 @!p1 $0xFFFFC000;
	s10 =	simm.s32 @!p2 $0x2  }
0xc7: {  	s13 =	simm.s32 @!p2 $0x100;
	s14 =	simm.s32 @!p2 $0x4400;
	_ =	swait.ge @!p2 [sflag:s10], $0x100  }
0xc8: {  	p1 =	sge.s32 s29, s5;
	s7 =	smov.u32 @p0 s11;
	[sflag:s10] =	ssyncset.done @!p2 $0x0  }
0xc9: {  	s11 =	sadd.s32 @!p1 $0xFFFFFFE0, s7;
	[sflag:s10] =	ssyncadd.s32 @!p2 $0xFFFFFF00;
	s10 =	simm.s32 @!p2 $0x80  }
0xca: {  	[tilespmem:s14], [sflag:$0x6] =	stream.indirect.gather @!p2 [hbm4b:s3+s10], $0x80, s13, s10, $0xb8;
	[tilespmem:$0x1E400] =	vst v63  }
0xcb: {  	s12 =	simm.s32 @!p1 $0x0;
	s15 =	simm.s32 @!p1 $0x200;
	s13 =	simm.s32 @!p3 $0x5  }
0xcc: {  	[tilespmem:s15], [sflag:$0x3] =	stream.linear.gather @!p1 [hbm4b:s11+s12], $0x100, $0x38;
	[tilespmem:$0x1E400] =	vst v63  }
0xcd: {  	_ =	swait.ge @!p3 [sflag:s13], $0x4000  }
0xce: {  	s11 =	simm.s32 @!p3 $0x9;
	[sflag:s13] =	ssyncset.done @!p3 $0x0  }
0xcf: {  	s12 =	simm.s32 @!p3 $0x80;
	[sflag:s13] =	ssyncadd.s32 @!p3 $0xFFFFC000;
	s13 =	simm.s32 @!p3 $0x400  }
0xd0: {  	[spmem:s2] =	stream.indirect.scatter.add.f32 @!p3 [tilespmem:s13], [sflag:$0x9], $0x80, s12, s12, $0xb8;
	[tilespmem:$0x1E400] =	vst v63  }
0xd1: {  	_ =	swait.ge @!p3 [sflag:s11], $0x4000  }
0xd2: {  	[sflag:s11] =	ssyncset.done @!p3 $0x0  }
0xd3: {  	[sflag:s11] =	ssyncadd.s32 @!p3 $0xFFFFC000;
	s11 =	simm.s32 @!p1 $0x3  }
0xd4: {  	s30 =	sadd.s32 $0x3, s8;
	_ =	swait.ge @!p1 [sflag:s11], $0x100  }
0xd5: {  	p0 =	sge.s32 s30, s5;
	[sflag:s11] =	ssyncset.done @!p1 $0x0  }
0xd6: {  	s12 =	simm.s32 @!p1 $0x400;
	[sflag:s11] =	ssyncadd.s32 @!p1 $0xFFFFFF00;
	s11 =	simm.s32 @!p1 $0x80  }
0xd7: {  	[tilespmem:s12], [sflag:$0x5] =	stream.indirect.gather @!p1 [hbm4b:s3+s11], $0x80, s15, s11, $0xb8;
	[tilespmem:$0x1E400] =	vst v63  }
0xd8: {  	s16 =	simm.s32 @!p2 $0x6;
	s13 =	simm.s32 @!p0 $0x0;
	s15 =	simm.s32 @!p0 $0x300  }
0xd9: {  	[tilespmem:s15], [sflag:$0x4] =	stream.linear.gather @!p0 [hbm4b:s7+s13], $0x100, $0x38;
	[tilespmem:$0x1E400] =	vst v63  }
0xda: {  	_ =	swait.ge @!p2 [sflag:s16], $0x4000  }
0xdb: {  	[sflag:s16] =	ssyncset.done @!p2 $0x0  }
0xdc: {  	s13 =	simm.s32 @!p2 $0x180;
	[sflag:s16] =	ssyncadd.s32 @!p2 $0xFFFFC000;
	s16 =	simm.s32 @!p2 $0x9  }
0xdd: {  	[spmem:s2] =	stream.indirect.scatter.add.f32 @!p2 [tilespmem:s14], [sflag:$0x9], $0x80, s13, s10, $0xb8;
	[tilespmem:$0x1E400] =	vst v63  }
0xde: {  	_ =	swait.ge @!p2 [sflag:s16], $0x4000  }
0xdf: {  	[sflag:s16] =	ssyncset.done @!p2 $0x0  }
0xe0: {  	s10 =	simm.s32 @!p0 $0x4;
	[sflag:s16] =	ssyncadd.s32 @!p2 $0xFFFFC000  }
0xe1: {  	_ =	swait.ge @!p0 [sflag:s10], $0x100  }
0xe2: {  	s31 =	sadd.s32 $0x4, s8;
	s13 =	simm.s32 @!p0 $0x4400;
	[sflag:s10] =	ssyncset.done @!p0 $0x0  }
0xe3: {  	p2 =	sge.s32 s31, s5;
	[sflag:s10] =	ssyncadd.s32 @!p0 $0xFFFFFF00;
	s10 =	simm.s32 @!p0 $0x80  }
0xe4: {  	[tilespmem:s13], [sflag:$0x6] =	stream.indirect.gather @!p0 [hbm4b:s3+s10], $0x80, s15, s10, $0xb8;
	[tilespmem:$0x1E400] =	vst v63  }
0xe5: {  	s8 =	sadd.s32 @!p2 $0x20, s7;
	s14 =	simm.s32 @!p2 $0x0;
	s15 =	simm.s32 @!p1 $0x5  }
0xe6: {  	[tilespmem:s14], [sflag:$0x1] =	stream.linear.gather @!p2 [hbm4b:s8+s14], $0x100, $0x38;
	[tilespmem:$0x1E400] =	vst v63  }
0xe7: {  	_ =	swait.ge @!p1 [sflag:s15], $0x4000  }
0xe8: {  	[sflag:s15] =	ssyncset.done @!p1 $0x0  }
0xe9: {  	s8 =	simm.s32 @!p1 $0x280;
	[sflag:s15] =	ssyncadd.s32 @!p1 $0xFFFFC000;
	s15 =	simm.s32 @!p1 $0x9  }
0xea: {  	[spmem:s2] =	stream.indirect.scatter.add.f32 @!p1 [tilespmem:s12], [sflag:$0x9], $0x80, s8, s11, $0xb8;
	[tilespmem:$0x1E400] =	vst v63  }
0xeb: {  	_ =	swait.ge @!p1 [sflag:s15], $0x4000  }
0xec: {  	[sflag:s15] =	ssyncset.done @!p1 $0x0  }
0xed: {  	s8 =	simm.s32 @!p2 $0x1;
	[sflag:s15] =	ssyncadd.s32 @!p1 $0xFFFFC000  }
0xee: {  	_ =	swait.ge @!p2 [sflag:s8], $0x100  }
0xef: {  	s11 =	simm.s32 @!p2 $0x400;
	p1 =	sge.s32 s9, s5;
	[sflag:s8] =	ssyncset.done @!p2 $0x0  }
0xf0: {  	s5 =	simm.s32 @!p2 $0x80;
	[sflag:s8] =	ssyncadd.s32 @!p2 $0xFFFFFF00;
	s8 =	simm.s32 @!p1 $0x100  }
0xf1: {  	[tilespmem:s11], [sflag:$0x5] =	stream.indirect.gather @!p2 [hbm4b:s3+s5], $0x80, s14, s5, $0xb8;
	[tilespmem:$0x1E400] =	vst v63  }
0xf2: {  	s3 =	sadd.s32 @!p1 $0x40, s7;
	s5 =	simm.s32 @!p1 $0x0;
	s7 =	simm.s32 @!p0 $0x6  }
0xf3: {  	[tilespmem:s8], [sflag:$0x2] =	stream.linear.gather @!p1 [hbm4b:s3+s5], $0x100, $0x38;
	[tilespmem:$0x1E400] =	vst v63  }
0xf4: {  	_ =	swait.ge @!p0 [sflag:s7], $0x4000  }
0xf5: {  	[sflag:s7] =	ssyncset.done @!p0 $0x0  }
0xf6: {  	s3 =	simm.s32 @!p0 $0x380;
	s5 =	simm.s32 @!p0 $0x8;
	[sflag:s7] =	ssyncadd.s32 @!p0 $0xFFFFC000  }
0xf7: {  	[spmem:s2] =	stream.indirect.scatter.add.f32 @!p0 [tilespmem:s13], [sflag:$0x8], $0x80, s3, s10, $0xb8;
	[tilespmem:$0x1E400] =	vst v63  }
0xf8: {  	_ =	swait.ge @!p0 [sflag:s5], $0x4000  }
0xf9: {  	[sflag:s5] =	ssyncset.done @!p0 $0x0  }
0xfa: {  	[sflag:s5] =	ssyncadd.s32 @!p0 $0xFFFFC000  }
.LBB2_8:
0xfb: {  	s2 =	sshll.u32 s0, $0x6;
	[bflag:$0x0] =	sbarrier.arrive $0xFFFF  }
0xfc: {  	s3 =	sshrl.u32 s4, $0x3;
	s31 =	simm.s32 $0x8;
	s2 =	sor.u32 $0x1C08, s2  }
0xfd: {  	[hbm:s6], [sflag:s2] =	dma.local [spmem:s3], $0x2800  }
0xfe: {  	_ =	swait.ge [sflag:s31], $0x2800  }
0xff: {  	[sflag:s31] =	ssyncset.done $0x0  }
0x100: {  	[sflag:s31] =	ssyncadd.s32 $0xFFFFD800  }
0x101: {  	_ =	sfence.sel $0x180000  }
0x102: {  	[bflag:$0x0] =	sbarrier.arrive $0xFFFF  }
0x103: {  	p0 =	sne.s32 s0, $0x0;
	_ =	strace $0x90000047  }
0x104: {  	s0 =	sadd.s32 @!p0 $0x100000, s1;
	[bflag:$0x2] =	sbarrier.arrive $0xFFFF  }
0x105: {  	[sflag:s0] =	ssyncadd.tile.s32 @!p0 $0x1;
	_ =	shalt  }
.LBB2_4:
.Ltmp5:
0x106: {  	(pc) =	sbr.rel .LBB2_7-.Ltmp5, $2  }
0x107: {  	_ =	sdelay $0x2  }
0x108: {  	s11 =	smov.u32 s7  }
.Lfunc_end2:
_tile_overlayer_lowered:
.L_overlay_start_2:
0x109: {  	(tag) =	ssettag $0x2  }
0x10a: {  	s0 =	rddreg [dreg:$0x0];
	s2 =	stileid.u32  }
0x10b: {  	s1 =	rddreg [dreg:$0x1];
	p0 =	sne.s32 s2, $0x0  }
0x10c: {  	s3 =	rddreg [dreg:$0x2];
	[bflag:$0x3] =	sbarrier.arrive $0xFFFF;
	s2 =	simm.s32 @!p0 $0x1C08  }
0x10d: {  	[timem:s3], [sflag:s2] =	dma.local @!p0 [hbm:s0], s1  }
0x10e: {  	s0 =	simm.s32 @!p0 $0x8  }
0x10f: {  	_ =	swait.ge @!p0 [sflag:s0], s1  }
0x110: {  	s1 =	ssub.s32 @!p0 $0x0, s1;
	[sflag:s0] =	ssyncset.done @!p0 $0x0  }
0x111: {  	[sflag:s0] =	ssyncadd.s32 @!p0 s1  }
0x112: {  	[bflag:$0x3] =	sbarrier.arrive $0xFFFF  }
0x113: {  	_ =	shalt  }

</sc_bundles>
